<compile_context>
chip_gen: v7x
topology: tpu7x:2x2x1
jax: 0.10.2.dev20260603
libtpu: 0.0.44.dev20260713+nightly
codegen_flags: <defaults>
</compile_context>

<pallas_src>
import functools

import jax
import jax.numpy as jnp
from jax import lax
from jax.experimental import pallas as pl
from jax.experimental.pallas import tpu as pltpu
from jax.experimental.pallas import tpu_sc as plsc

N = 10000
NP = 10240
E = 320000
D = 128
H = 8
HD = 16
NC = 2
NS = 16
HC = H // NC
DH = D // NC
L = 16
SW = DH + L
NPT = NP // NS
EPT = E // NS
B = 80
NWIN = EPT // B

_f32 = jnp.float32

_GD = lax.GatherDimensionNumbers(
    offset_dims=(), collapsed_slice_dims=(0,), start_index_map=(0,))


def _lane_bcast(v, j):
    idx = jnp.full((L, 1), j, dtype=jnp.int32)
    return lax.gather(v, idx, _GD, slice_sizes=(1,),
                      mode=lax.GatherScatterMode.PROMISE_IN_BOUNDS)


def _prep_body(x_ref, wall_ref, a1_ref, b1_ref, a2_ref, b2_ref,
               sft_ref, f1_ref):
    s = jnp.dot(x_ref[...], wall_ref[...], preferred_element_type=_f32)
    f1 = jnp.dot(s, a1_ref[...], preferred_element_type=_f32) + b1_ref[...]
    f2 = jnp.dot(s, a2_ref[...], preferred_element_type=_f32) + b2_ref[...]
    rep = L // HC
    sft_ref[0] = jnp.concatenate([s[:, :DH]] + [f2[:, :HC]] * rep, axis=1)
    sft_ref[1] = jnp.concatenate([s[:, DH:]] + [f2[:, HC:]] * rep, axis=1)
    f1_ref[0] = jnp.concatenate([f1[:, :HC]] * rep, axis=1)
    f1_ref[1] = jnp.concatenate([f1[:, HC:]] * rep, axis=1)


def _prep(x, wall, a1, b1, a2, b2):
    grid = 10
    rb = NP // grid
    return pl.pallas_call(
        _prep_body,
        grid=(grid,),
        in_specs=[
            pl.BlockSpec((rb, D), lambda i: (i, 0)),
            pl.BlockSpec((D, D), lambda i: (0, 0)),
            pl.BlockSpec((D, H), lambda i: (0, 0)),
            pl.BlockSpec((1, H), lambda i: (0, 0)),
            pl.BlockSpec((D, H), lambda i: (0, 0)),
            pl.BlockSpec((1, H), lambda i: (0, 0)),
        ],
        out_specs=[
            pl.BlockSpec((NC, rb, SW), lambda i: (0, i, 0)),
            pl.BlockSpec((NC, rb, L), lambda i: (0, i, 0)),
        ],
        out_shape=[
            jax.ShapeDtypeStruct((NC, NP, SW), _f32),
            jax.ShapeDtypeStruct((NC, NP, L), _f32),
        ],
    )(x, wall, a1, b1, a2, b2)


def _sc_body(sft_hbm, f1_hbm, row_hbm, col_hbm, z80_hbm,
             acc_out,
             acc_s, sft_s, f1_s,
             rowv0, rowv1, colv0, colv1, srow0, srow1,
             g1v0, g1v1, sfv0, sfv1, isem, gsem, ssem):
    c = lax.axis_index("c")
    s = lax.axis_index("s")
    r0 = s * NPT

    pltpu.sync_copy(z80_hbm.at[pl.ds(r0, NPT)], acc_s.at[pl.ds(r0, NPT)])
    pltpu.sync_copy(sft_hbm.at[c, pl.ds(r0, NPT)], sft_s.at[pl.ds(r0, NPT)])
    pltpu.sync_copy(f1_hbm.at[c, pl.ds(r0, NPT)], f1_s.at[pl.ds(r0, NPT)])
    plsc.subcore_barrier()

    bufs = ((rowv0, colv0, srow0, g1v0, sfv0),
            (rowv1, colv1, srow1, g1v1, sfv1))

    def start_idx(w, b):
        rowv, colv = bufs[b][0], bufs[b][1]
        pltpu.async_copy(row_hbm.at[s, w], rowv, isem.at[b])
        pltpu.async_copy(col_hbm.at[s, w], colv, isem.at[b])

    def wait_idx(w, b):
        rowv, colv = bufs[b][0], bufs[b][1]
        pltpu.make_async_copy(row_hbm.at[s, w], rowv, isem.at[b]).wait()
        pltpu.make_async_copy(col_hbm.at[s, w], colv, isem.at[b]).wait()

    def start_gathers(b):
        rowv, colv, _, g1v, sfv = bufs[b]
        pltpu.async_copy(f1_s.at[rowv], g1v, gsem.at[b])
        pltpu.async_copy(sft_s.at[colv], sfv, gsem.at[b])

    def wait_gathers(b):
        rowv, colv, _, g1v, sfv = bufs[b]
        pltpu.make_async_copy(f1_s.at[rowv], g1v, gsem.at[b]).wait()
        pltpu.make_async_copy(sft_s.at[colv], sfv, gsem.at[b]).wait()

    def start_scatter(b):
        _, _, srow, _, sfv = bufs[b]
        pltpu.async_copy(sfv, acc_s.at[srow], ssem.at[b], add=True)

    def wait_scatter(b):
        _, _, srow, _, sfv = bufs[b]
        pltpu.make_async_copy(sfv, acc_s.at[srow], ssem.at[b]).wait()

    def compute(b):
        g1b, sfb = bufs[b][3], bufs[b][4]

        def edge(e, carry2):
            w = g1b[e] + sfb[e, pl.ds(DH, L)]
            w = jnp.maximum(w * jnp.float32(0.2), w)
            ex = jnp.exp(w)
            for j in range(HC):
                exj = _lane_bcast(ex, j)
                sfb[e, pl.ds(HD * j, HD)] = sfb[e, pl.ds(HD * j, HD)] * exj
            sfb[e, pl.ds(DH, L)] = ex
            return carry2

        lax.fori_loop(0, B, edge, 0, unroll=2)

    start_idx(0, 0)
    wait_idx(0, 0)
    start_gathers(0)

    def body(wo, carry):
        for b in range(2):
            w = 2 * wo + b
            wait_gathers(b)
            rowv, srow = bufs[b][0], bufs[b][2]
            for k in range(B // L):
                srow[pl.ds(k * L, L)] = rowv[pl.ds(k * L, L)]

            @pl.when(w + 1 < NWIN)
            def _():
                start_idx(w + 1, 1 - b)

            compute(b)
            start_scatter(b)

            @pl.when(w >= 1)
            def _():
                wait_scatter(1 - b)

            @pl.when(w + 1 < NWIN)
            def _():
                wait_idx(w + 1, 1 - b)
                start_gathers(1 - b)

        return carry

    lax.fori_loop(0, NWIN // 2, body, 0)
    wait_scatter((NWIN - 1) % 2)
    plsc.subcore_barrier()

    pltpu.sync_copy(acc_s.at[pl.ds(r0, NPT)], acc_out.at[c, pl.ds(r0, NPT)])


_sc_call = functools.partial(
    pl.kernel,
    out_type=jax.ShapeDtypeStruct((NC, NP, SW), _f32),
    mesh=plsc.VectorSubcoreMesh(core_axis_name="c", subcore_axis_name="s"),
    compiler_params=pltpu.CompilerParams(use_tc_tiling_on_sc=False),
    scratch_types=[
        pltpu.VMEM_SHARED((NP, SW), _f32),
        pltpu.VMEM_SHARED((NP, SW), _f32),
        pltpu.VMEM_SHARED((NP, L), _f32),
        pltpu.VMEM((B,), jnp.int32),
        pltpu.VMEM((B,), jnp.int32),
        pltpu.VMEM((B,), jnp.int32),
        pltpu.VMEM((B,), jnp.int32),
        pltpu.VMEM((B,), jnp.int32),
        pltpu.VMEM((B,), jnp.int32),
        pltpu.VMEM((B, L), _f32),
        pltpu.VMEM((B, L), _f32),
        pltpu.VMEM((B, SW), _f32),
        pltpu.VMEM((B, SW), _f32),
        pltpu.SemaphoreType.DMA((2,)),
        pltpu.SemaphoreType.DMA((2,)),
        pltpu.SemaphoreType.DMA((2,)),
    ],
)(_sc_body)


def _fin_body(acc_ref, e0_ref, e1_ref, o_ref):
    n = jnp.concatenate([acc_ref[0, :, :DH], acc_ref[1, :, :DH]], axis=1)
    dex = (jnp.dot(acc_ref[0, :, DH:], e0_ref[...], preferred_element_type=_f32)
           + jnp.dot(acc_ref[1, :, DH:], e1_ref[...], preferred_element_type=_f32))
    h = jnp.where(dex > 0, n / jnp.where(dex > 0, dex, 1.0), 0.0)
    o_ref[...] = jnp.where(h > 0, h, jnp.exp(h) - 1.0)


def _finish(acc, e0, e1):
    grid = 10
    rb = NP // grid
    return pl.pallas_call(
        _fin_body,
        grid=(grid,),
        in_specs=[
            pl.BlockSpec((NC, rb, SW), lambda i: (0, i, 0)),
            pl.BlockSpec((L, D), lambda i: (0, 0)),
            pl.BlockSpec((L, D), lambda i: (0, 0)),
        ],
        out_specs=pl.BlockSpec((rb, D), lambda i: (i, 0)),
        out_shape=jax.ShapeDtypeStruct((NP, D), _f32),
    )(acc, e0, e1)


def kernel(x, edge_index, W, a1_w, a1_b, a2_w, a2_b):
    row = edge_index[0].astype(jnp.int32)
    col = edge_index[1].astype(jnp.int32)

    wall = jnp.transpose(W, (1, 0, 2)).reshape(D, D)
    eye = jnp.eye(H, dtype=_f32)
    a1 = (eye[:, None, :] * a1_w[:, :, 0][:, :, None]).reshape(D, H)
    a2 = (eye[:, None, :] * a2_w[:, :, 0][:, :, None]).reshape(D, H)
    b1 = a1_b[:, 0][None, :]
    b2 = a2_b[:, 0][None, :]

    xp = jnp.pad(x, ((0, NP - N), (0, 0)))
    sft, f1t = _prep(xp, wall, a1, b1, a2, b2)

    z80 = jnp.zeros((NP, SW), _f32)
    row3 = row.reshape(NS, NWIN, B)
    col3 = col.reshape(NS, NWIN, B)
    acc = _sc_call(sft, f1t, row3, col3, z80)

    lane = jnp.arange(L, dtype=jnp.int32)[:, None]
    headcol = (jnp.arange(D, dtype=jnp.int32) // HD)[None, :]
    e0 = ((lane == headcol) & (lane < HC)).astype(_f32)
    e1 = ((lane == (headcol - HC)) & (lane < HC)).astype(_f32)

    return _finish(acc, e0, e1)[:N]

# --- scband reference (transcript-rebuilt; emitter-appended) ---
"""Pipeline reference for scband-structural-attention-layer-46669114638374 (READ-ONLY COPY).

The authoritative reference and input builder live on the scoring server;
editing this copy changes nothing except your own understanding.
"""

import jax, jax.numpy as jnp
import numpy as np

N_NODES = 10000
N_EDGES = 320000
IN_DIM = 128
OUT_DIM = 128
N_HEADS = 8
HEAD_DIM = OUT_DIM // N_HEADS


def setup_inputs(seed: int = 0) -> dict:
    key = jax.random.key(seed)
    k = jax.random.split(key, 8)
    x = jax.random.normal(k[0], (N_NODES, IN_DIM), dtype=jnp.float32)
    edge_index = jax.random.randint(k[1], (2, N_EDGES), 0, N_NODES, dtype=jnp.int64)
    # per-head weight transform (conv1d kernel_size=1, no bias): [H, in, head_dim]
    W = jax.random.normal(k[2], (N_HEADS, IN_DIM, HEAD_DIM), dtype=jnp.float32) * 0.05
    # attention projections a1, a2 (conv1d out=1, with bias)
    a1_w = jax.random.normal(k[3], (N_HEADS, HEAD_DIM, 1), dtype=jnp.float32) * 0.05
    a1_b = jnp.zeros((N_HEADS, 1), dtype=jnp.float32)
    a2_w = jax.random.normal(k[4], (N_HEADS, HEAD_DIM, 1), dtype=jnp.float32) * 0.05
    a2_b = jnp.zeros((N_HEADS, 1), dtype=jnp.float32)
    return {"x": x, "edge_index": edge_index, "W": W, "a1_w": a1_w, "a1_b": a1_b, "a2_w": a2_w, "a2_b": a2_b}


def _leaky_relu(v, alpha=0.2):
    return jnp.maximum(alpha * v, v)


def _head(x, W_h, a1w, a1b, a2w, a2b, row, col):
    # seq_fts = conv1d(x, head_dim, 1, use_bias=False)
    seq_fts = x @ W_h  # [N, head_dim]
    f1 = (seq_fts @ a1w + a1b)[:, 0]  # [N]
    f2 = (seq_fts @ a2w + a2b)[:, 0]  # [N]
    # logits on sparse adj: adj * f1 (row broadcast) + adj * f2^T (col broadcast)
    e = f1[row] + f2[col]  # [E]
    e = _leaky_relu(e)
    # sparse row-wise softmax
    m = jax.ops.segment_max(e, row, num_segments=N_NODES)
    ex = jnp.exp(e - m[row])
    denom = jax.ops.segment_sum(ex, row, num_segments=N_NODES)
    coef = ex / denom[row]
    # values = coefficients @ seq_fts  (sparse-dense matmul)
    out = jax.ops.segment_sum(coef[:, None] * seq_fts[col], row, num_segments=N_NODES)
    return out  # [N, head_dim]


def reference(x, edge_index, W, a1_w, a1_b, a2_w, a2_b):
    row = edge_index[0]
    col = edge_index[1]
    heads = []
    for j in range(N_HEADS):
        heads.append(_head(x, W[j], a1_w[j], a1_b[j], a2_w[j], a2_b[j], row, col))
    h = jnp.concatenate(heads, axis=-1)  # [N, OUT_DIM]
    return jax.nn.elu(h)

if __name__ == "__main__":
    import jax
    _d = setup_inputs()
    print(jax.jit(kernel)(*tuple(_d.values())))

</pallas_src>

<mosaic_0001>
#map = affine_map<(d0, d1) -> (0, 0, 0)>
#map1 = affine_map<(d0, d1) -> (0, 0)>
module attributes {stable_mosaic.version = 14 : i64} {
  func.func @_sc_body(%arg0: i32, %arg1: i32, %arg2: memref<2x10240x80xf32, #tpu.memory_space<hbm>>, %arg3: memref<2x10240x16xf32, #tpu.memory_space<hbm>>, %arg4: memref<16x250x80xi32, #tpu.memory_space<hbm>>, %arg5: memref<16x250x80xi32, #tpu.memory_space<hbm>>, %arg6: memref<10240x80xf32, #tpu.memory_space<hbm>>, %arg7: memref<2x10240x80xf32, #tpu.memory_space<hbm>>, %arg8: memref<10240x80xf32, #tpu.memory_space<vmem_shared>>, %arg9: memref<10240x80xf32, #tpu.memory_space<vmem_shared>>, %arg10: memref<10240x16xf32, #tpu.memory_space<vmem_shared>>, %arg11: memref<80xi32, #tpu.memory_space<vmem>>, %arg12: memref<80xi32, #tpu.memory_space<vmem>>, %arg13: memref<80xi32, #tpu.memory_space<vmem>>, %arg14: memref<80xi32, #tpu.memory_space<vmem>>, %arg15: memref<80xi32, #tpu.memory_space<vmem>>, %arg16: memref<80xi32, #tpu.memory_space<vmem>>, %arg17: memref<80x16xf32, #tpu.memory_space<vmem>>, %arg18: memref<80x16xf32, #tpu.memory_space<vmem>>, %arg19: memref<80x80xf32, #tpu.memory_space<vmem>>, %arg20: memref<80x80xf32, #tpu.memory_space<vmem>>, %arg21: memref<2x!tpu.dma_semaphore, #tpu.memory_space<semaphore_mem>>, %arg22: memref<2x!tpu.dma_semaphore, #tpu.memory_space<semaphore_mem>>, %arg23: memref<2x!tpu.dma_semaphore, #tpu.memory_space<semaphore_mem>>) attributes {dimension_semantics = [#tpu.dimension_semantics<core_parallel>, #tpu.dimension_semantics<subcore_parallel>], iteration_bounds = array<i64: 2, 16>, scalar_prefetch = 0 : i64, scratch_operands = 16 : i64, tpu.core_type = #tpu.core_type<sc_vector_subcore>, window_params = [{transform_indices = #map}, {transform_indices = #map}, {transform_indices = #map}, {transform_indices = #map}, {transform_indices = #map1}, {transform_indices = #map}]} {
    %mul3A = arith.constant 640 : i32
    %mul3A_0 = arith.muli %arg1, %mul3A : i32
    "tpu.region"() ({
      %run_scoped3A = tpu.sem_alloc : memref<!tpu.dma_semaphore, #tpu.memory_space<semaphore_mem>>
      %dma_start3A_63 = arith.constant 0 : i32
      %dma_start3A_64 = tpu.memref_slice %arg8[%mul3A_0, %dma_start3A_63] : memref<10240x80xf32, #tpu.memory_space<vmem_shared>> -> memref<640x80xf32, #tpu.memory_space<vmem_shared>>
      %dma_start3A_65 = arith.constant 0 : i32
      %dma_start3A_66 = tpu.memref_slice %arg6[%mul3A_0, %dma_start3A_65] : memref<10240x80xf32, #tpu.memory_space<hbm>> -> memref<640x80xf32, #tpu.memory_space<hbm>>
      tpu.enqueue_dma source(%dma_start3A_66 : memref<640x80xf32, #tpu.memory_space<hbm>>) target(%dma_start3A_64 : memref<640x80xf32, #tpu.memory_space<vmem_shared>>) target_semaphore(%run_scoped3A : memref<!tpu.dma_semaphore, #tpu.memory_space<semaphore_mem>>)
      %dma_wait3A_67 = arith.constant 0 : i32
      %dma_wait3A_68 = tpu.memref_slice %arg8[%mul3A_0, %dma_wait3A_67] : memref<10240x80xf32, #tpu.memory_space<vmem_shared>> -> memref<640x80xf32, #tpu.memory_space<vmem_shared>>
      %dma_wait3A_69 = arith.constant 0 : i32
      %dma_wait3A_70 = tpu.memref_slice %arg6[%mul3A_0, %dma_wait3A_69] : memref<10240x80xf32, #tpu.memory_space<hbm>> -> memref<640x80xf32, #tpu.memory_space<hbm>>
      tpu.wait_dma2 semaphore(%run_scoped3A : memref<!tpu.dma_semaphore, #tpu.memory_space<semaphore_mem>>) src(%dma_wait3A_70 : memref<640x80xf32, #tpu.memory_space<hbm>>) dst(%dma_wait3A_68 : memref<640x80xf32, #tpu.memory_space<vmem_shared>>)
      tpu.yield
    }) : () -> ()
    "tpu.region"() ({
      %run_scoped3A = tpu.sem_alloc : memref<!tpu.dma_semaphore, #tpu.memory_space<semaphore_mem>>
      %dma_start3A_63 = arith.constant 0 : i32
      %dma_start3A_64 = tpu.memref_slice %arg9[%mul3A_0, %dma_start3A_63] : memref<10240x80xf32, #tpu.memory_space<vmem_shared>> -> memref<640x80xf32, #tpu.memory_space<vmem_shared>>
      %dma_start3A_65 = arith.constant 0 : i32
      %dma_start3A_66 = tpu.memref_slice %arg2[%arg0, %mul3A_0, %dma_start3A_65] : memref<2x10240x80xf32, #tpu.memory_space<hbm>> -> memref<1x640x80xf32, #tpu.memory_space<hbm>>
      %dma_start3A_67 = tpu.memref_squeeze %dma_start3A_66 : memref<1x640x80xf32, #tpu.memory_space<hbm>> -> memref<640x80xf32, #tpu.memory_space<hbm>>
      tpu.enqueue_dma source(%dma_start3A_67 : memref<640x80xf32, #tpu.memory_space<hbm>>) target(%dma_start3A_64 : memref<640x80xf32, #tpu.memory_space<vmem_shared>>) target_semaphore(%run_scoped3A : memref<!tpu.dma_semaphore, #tpu.memory_space<semaphore_mem>>)
      %dma_wait3A_68 = arith.constant 0 : i32
      %dma_wait3A_69 = tpu.memref_slice %arg9[%mul3A_0, %dma_wait3A_68] : memref<10240x80xf32, #tpu.memory_space<vmem_shared>> -> memref<640x80xf32, #tpu.memory_space<vmem_shared>>
      %dma_wait3A_70 = arith.constant 0 : i32
      %dma_wait3A_71 = tpu.memref_slice %arg2[%arg0, %mul3A_0, %dma_wait3A_70] : memref<2x10240x80xf32, #tpu.memory_space<hbm>> -> memref<1x640x80xf32, #tpu.memory_space<hbm>>
      %dma_wait3A_72 = tpu.memref_squeeze %dma_wait3A_71 : memref<1x640x80xf32, #tpu.memory_space<hbm>> -> memref<640x80xf32, #tpu.memory_space<hbm>>
      tpu.wait_dma2 semaphore(%run_scoped3A : memref<!tpu.dma_semaphore, #tpu.memory_space<semaphore_mem>>) src(%dma_wait3A_72 : memref<640x80xf32, #tpu.memory_space<hbm>>) dst(%dma_wait3A_69 : memref<640x80xf32, #tpu.memory_space<vmem_shared>>)
      tpu.yield
    }) : () -> ()
    "tpu.region"() ({
      %run_scoped3A = tpu.sem_alloc : memref<!tpu.dma_semaphore, #tpu.memory_space<semaphore_mem>>
      %dma_start3A_63 = arith.constant 0 : i32
      %dma_start3A_64 = tpu.memref_slice %arg10[%mul3A_0, %dma_start3A_63] : memref<10240x16xf32, #tpu.memory_space<vmem_shared>> -> memref<640x16xf32, #tpu.memory_space<vmem_shared>>
      %dma_start3A_65 = arith.constant 0 : i32
      %dma_start3A_66 = tpu.memref_slice %arg3[%arg0, %mul3A_0, %dma_start3A_65] : memref<2x10240x16xf32, #tpu.memory_space<hbm>> -> memref<1x640x16xf32, #tpu.memory_space<hbm>>
      %dma_start3A_67 = tpu.memref_squeeze %dma_start3A_66 : memref<1x640x16xf32, #tpu.memory_space<hbm>> -> memref<640x16xf32, #tpu.memory_space<hbm>>
      tpu.enqueue_dma source(%dma_start3A_67 : memref<640x16xf32, #tpu.memory_space<hbm>>) target(%dma_start3A_64 : memref<640x16xf32, #tpu.memory_space<vmem_shared>>) target_semaphore(%run_scoped3A : memref<!tpu.dma_semaphore, #tpu.memory_space<semaphore_mem>>)
      %dma_wait3A_68 = arith.constant 0 : i32
      %dma_wait3A_69 = tpu.memref_slice %arg10[%mul3A_0, %dma_wait3A_68] : memref<10240x16xf32, #tpu.memory_space<vmem_shared>> -> memref<640x16xf32, #tpu.memory_space<vmem_shared>>
      %dma_wait3A_70 = arith.constant 0 : i32
      %dma_wait3A_71 = tpu.memref_slice %arg3[%arg0, %mul3A_0, %dma_wait3A_70] : memref<2x10240x16xf32, #tpu.memory_space<hbm>> -> memref<1x640x16xf32, #tpu.memory_space<hbm>>
      %dma_wait3A_72 = tpu.memref_squeeze %dma_wait3A_71 : memref<1x640x16xf32, #tpu.memory_space<hbm>> -> memref<640x16xf32, #tpu.memory_space<hbm>>
      tpu.wait_dma2 semaphore(%run_scoped3A : memref<!tpu.dma_semaphore, #tpu.memory_space<semaphore_mem>>) src(%dma_wait3A_72 : memref<640x16xf32, #tpu.memory_space<hbm>>) dst(%dma_wait3A_69 : memref<640x16xf32, #tpu.memory_space<vmem_shared>>)
      tpu.yield
    }) : () -> ()
    %barrier3A = arith.constant 0 : index
    tpu.barrier barrier_id(%barrier3A)
    %dma_start3A = arith.constant 0 : i32
    %dma_start3A_1 = arith.constant 0 : i32
    %dma_start3A_2 = arith.constant 0 : i32
    %dma_start3A_3 = tpu.memref_slice %arg4[%arg1, %dma_start3A, %dma_start3A_2] : memref<16x250x80xi32, #tpu.memory_space<hbm>> -> memref<1x1x80xi32, #tpu.memory_space<hbm>>
    %dma_start3A_4 = tpu.memref_squeeze %dma_start3A_3 : memref<1x1x80xi32, #tpu.memory_space<hbm>> -> memref<80xi32, #tpu.memory_space<hbm>>
    %dma_start3A_5 = tpu.memref_slice %arg21[%dma_start3A_1] : memref<2x!tpu.dma_semaphore, #tpu.memory_space<semaphore_mem>> -> memref<1x!tpu.dma_semaphore, #tpu.memory_space<semaphore_mem>>
    %dma_start3A_6 = tpu.memref_squeeze %dma_start3A_5 : memref<1x!tpu.dma_semaphore, #tpu.memory_space<semaphore_mem>> -> memref<!tpu.dma_semaphore, #tpu.memory_space<semaphore_mem>>
    %dma_start3A_7 = arith.constant 0 : i32
    %dma_start3A_8 = tpu.memref_slice %arg4[%arg1, %dma_start3A, %dma_start3A_7] : memref<16x250x80xi32, #tpu.memory_space<hbm>> -> memref<1x1x80xi32, #tpu.memory_space<hbm>>
    %dma_start3A_9 = tpu.memref_squeeze %dma_start3A_8 : memref<1x1x80xi32, #tpu.memory_space<hbm>> -> memref<80xi32, #tpu.memory_space<hbm>>
    tpu.enqueue_dma source(%dma_start3A_9 : memref<80xi32, #tpu.memory_space<hbm>>) target(%arg11 : memref<80xi32, #tpu.memory_space<vmem>>) target_semaphore(%dma_start3A_6 : memref<!tpu.dma_semaphore, #tpu.memory_space<semaphore_mem>>)
    %dma_start3A_10 = arith.constant 0 : i32
    %dma_start3A_11 = arith.constant 0 : i32
    %dma_start3A_12 = arith.constant 0 : i32
    %dma_start3A_13 = tpu.memref_slice %arg5[%arg1, %dma_start3A_10, %dma_start3A_12] : memref<16x250x80xi32, #tpu.memory_space<hbm>> -> memref<1x1x80xi32, #tpu.memory_space<hbm>>
    %dma_start3A_14 = tpu.memref_squeeze %dma_start3A_13 : memref<1x1x80xi32, #tpu.memory_space<hbm>> -> memref<80xi32, #tpu.memory_space<hbm>>
    %dma_start3A_15 = tpu.memref_slice %arg21[%dma_start3A_11] : memref<2x!tpu.dma_semaphore, #tpu.memory_space<semaphore_mem>> -> memref<1x!tpu.dma_semaphore, #tpu.memory_space<semaphore_mem>>
    %dma_start3A_16 = tpu.memref_squeeze %dma_start3A_15 : memref<1x!tpu.dma_semaphore, #tpu.memory_space<semaphore_mem>> -> memref<!tpu.dma_semaphore, #tpu.memory_space<semaphore_mem>>
    %dma_start3A_17 = arith.constant 0 : i32
    %dma_start3A_18 = tpu.memref_slice %arg5[%arg1, %dma_start3A_10, %dma_start3A_17] : memref<16x250x80xi32, #tpu.memory_space<hbm>> -> memref<1x1x80xi32, #tpu.memory_space<hbm>>
    %dma_start3A_19 = tpu.memref_squeeze %dma_start3A_18 : memref<1x1x80xi32, #tpu.memory_space<hbm>> -> memref<80xi32, #tpu.memory_space<hbm>>
    tpu.enqueue_dma source(%dma_start3A_19 : memref<80xi32, #tpu.memory_space<hbm>>) target(%arg13 : memref<80xi32, #tpu.memory_space<vmem>>) target_semaphore(%dma_start3A_16 : memref<!tpu.dma_semaphore, #tpu.memory_space<semaphore_mem>>)
    %dma_wait3A = arith.constant 0 : i32
    %dma_wait3A_20 = arith.constant 0 : i32
    %dma_wait3A_21 = arith.constant 0 : i32
    %dma_wait3A_22 = tpu.memref_slice %arg4[%arg1, %dma_wait3A, %dma_wait3A_21] : memref<16x250x80xi32, #tpu.memory_space<hbm>> -> memref<1x1x80xi32, #tpu.memory_space<hbm>>
    %dma_wait3A_23 = tpu.memref_squeeze %dma_wait3A_22 : memref<1x1x80xi32, #tpu.memory_space<hbm>> -> memref<80xi32, #tpu.memory_space<hbm>>
    %dma_wait3A_24 = tpu.memref_slice %arg21[%dma_wait3A_20] : memref<2x!tpu.dma_semaphore, #tpu.memory_space<semaphore_mem>> -> memref<1x!tpu.dma_semaphore, #tpu.memory_space<semaphore_mem>>
    %dma_wait3A_25 = tpu.memref_squeeze %dma_wait3A_24 : memref<1x!tpu.dma_semaphore, #tpu.memory_space<semaphore_mem>> -> memref<!tpu.dma_semaphore, #tpu.memory_space<semaphore_mem>>
    %dma_wait3A_26 = arith.constant 0 : i32
    %dma_wait3A_27 = tpu.memref_slice %arg4[%arg1, %dma_wait3A, %dma_wait3A_26] : memref<16x250x80xi32, #tpu.memory_space<hbm>> -> memref<1x1x80xi32, #tpu.memory_space<hbm>>
    %dma_wait3A_28 = tpu.memref_squeeze %dma_wait3A_27 : memref<1x1x80xi32, #tpu.memory_space<hbm>> -> memref<80xi32, #tpu.memory_space<hbm>>
    tpu.wait_dma2 semaphore(%dma_wait3A_25 : memref<!tpu.dma_semaphore, #tpu.memory_space<semaphore_mem>>) src(%dma_wait3A_28 : memref<80xi32, #tpu.memory_space<hbm>>) dst(%arg11 : memref<80xi32, #tpu.memory_space<vmem>>)
    %dma_wait3A_29 = arith.constant 0 : i32
    %dma_wait3A_30 = arith.constant 0 : i32
    %dma_wait3A_31 = arith.constant 0 : i32
    %dma_wait3A_32 = tpu.memref_slice %arg5[%arg1, %dma_wait3A_29, %dma_wait3A_31] : memref<16x250x80xi32, #tpu.memory_space<hbm>> -> memref<1x1x80xi32, #tpu.memory_space<hbm>>
    %dma_wait3A_33 = tpu.memref_squeeze %dma_wait3A_32 : memref<1x1x80xi32, #tpu.memory_space<hbm>> -> memref<80xi32, #tpu.memory_space<hbm>>
    %dma_wait3A_34 = tpu.memref_slice %arg21[%dma_wait3A_30] : memref<2x!tpu.dma_semaphore, #tpu.memory_space<semaphore_mem>> -> memref<1x!tpu.dma_semaphore, #tpu.memory_space<semaphore_mem>>
    %dma_wait3A_35 = tpu.memref_squeeze %dma_wait3A_34 : memref<1x!tpu.dma_semaphore, #tpu.memory_space<semaphore_mem>> -> memref<!tpu.dma_semaphore, #tpu.memory_space<semaphore_mem>>
    %dma_wait3A_36 = arith.constant 0 : i32
    %dma_wait3A_37 = tpu.memref_slice %arg5[%arg1, %dma_wait3A_29, %dma_wait3A_36] : memref<16x250x80xi32, #tpu.memory_space<hbm>> -> memref<1x1x80xi32, #tpu.memory_space<hbm>>
    %dma_wait3A_38 = tpu.memref_squeeze %dma_wait3A_37 : memref<1x1x80xi32, #tpu.memory_space<hbm>> -> memref<80xi32, #tpu.memory_space<hbm>>
    tpu.wait_dma2 semaphore(%dma_wait3A_35 : memref<!tpu.dma_semaphore, #tpu.memory_space<semaphore_mem>>) src(%dma_wait3A_38 : memref<80xi32, #tpu.memory_space<hbm>>) dst(%arg13 : memref<80xi32, #tpu.memory_space<vmem>>)
    %dma_start3A_39 = arith.constant 0 : i32
    %dma_start3A_40 = arith.constant 0 : i32
    %dma_start3A_41 = arith.constant 0 : i32
    %dma_start3A_42 = tpu.memref_slice %arg10[%dma_start3A_40, %dma_start3A_41] : memref<10240x16xf32, #tpu.memory_space<vmem_shared>> -> memref<10240x16xf32, #tpu.memory_space<vmem_shared>>
    %dma_start3A_43 = tpu.memref_slice %arg22[%dma_start3A_39] : memref<2x!tpu.dma_semaphore, #tpu.memory_space<semaphore_mem>> -> memref<1x!tpu.dma_semaphore, #tpu.memory_space<semaphore_mem>>
    %dma_start3A_44 = tpu.memref_squeeze %dma_start3A_43 : memref<1x!tpu.dma_semaphore, #tpu.memory_space<semaphore_mem>> -> memref<!tpu.dma_semaphore, #tpu.memory_space<semaphore_mem>>
    tpu.enqueue_indirect_dma source(%dma_start3A_42 : memref<10240x16xf32, #tpu.memory_space<vmem_shared>>) target(%arg17 : memref<80x16xf32, #tpu.memory_space<vmem>>) offsets(%arg11 : memref<80xi32, #tpu.memory_space<vmem>>) semaphore(%dma_start3A_44 : memref<!tpu.dma_semaphore, #tpu.memory_space<semaphore_mem>>)
    %dma_start3A_45 = arith.constant 0 : i32
    %dma_start3A_46 = arith.constant 0 : i32
    %dma_start3A_47 = arith.constant 0 : i32
    %dma_start3A_48 = tpu.memref_slice %arg9[%dma_start3A_46, %dma_start3A_47] : memref<10240x80xf32, #tpu.memory_space<vmem_shared>> -> memref<10240x80xf32, #tpu.memory_space<vmem_shared>>
    %dma_start3A_49 = tpu.memref_slice %arg22[%dma_start3A_45] : memref<2x!tpu.dma_semaphore, #tpu.memory_space<semaphore_mem>> -> memref<1x!tpu.dma_semaphore, #tpu.memory_space<semaphore_mem>>
    %dma_start3A_50 = tpu.memref_squeeze %dma_start3A_49 : memref<1x!tpu.dma_semaphore, #tpu.memory_space<semaphore_mem>> -> memref<!tpu.dma_semaphore, #tpu.memory_space<semaphore_mem>>
    tpu.enqueue_indirect_dma source(%dma_start3A_48 : memref<10240x80xf32, #tpu.memory_space<vmem_shared>>) target(%arg19 : memref<80x80xf32, #tpu.memory_space<vmem>>) offsets(%arg13 : memref<80xi32, #tpu.memory_space<vmem>>) semaphore(%dma_start3A_50 : memref<!tpu.dma_semaphore, #tpu.memory_space<semaphore_mem>>)
    %scan3A = arith.constant 0 : i32
    %scan3A_51 = arith.constant 0 : i32
    %scan3A_52 = arith.constant 125 : i32
    %scan3A_53 = arith.addi %scan3A_51, %scan3A_52 : i32
    %scan3A_54 = arith.constant 1 : i32
    scf.for %scan3A_63 = %scan3A_51 to %scan3A_53 step %scan3A_54  : i32 {
      %mul3A_64 = arith.constant 2 : i32
      %mul3A_65 = arith.muli %mul3A_64, %scan3A_63 : i32
      %add3A = arith.constant 0 : i32
      %add3A_66 = arith.addi %mul3A_65, %add3A : i32
      %dma_wait3A_67 = arith.constant 0 : i32
      %dma_wait3A_68 = arith.constant 0 : i32
      %dma_wait3A_69 = arith.constant 0 : i32
      %dma_wait3A_70 = tpu.memref_slice %arg10[%dma_wait3A_68, %dma_wait3A_69] : memref<10240x16xf32, #tpu.memory_space<vmem_shared>> -> memref<10240x16xf32, #tpu.memory_space<vmem_shared>>
      %dma_wait3A_71 = tpu.memref_slice %arg22[%dma_wait3A_67] : memref<2x!tpu.dma_semaphore, #tpu.memory_space<semaphore_mem>> -> memref<1x!tpu.dma_semaphore, #tpu.memory_space<semaphore_mem>>
      %dma_wait3A_72 = tpu.memref_squeeze %dma_wait3A_71 : memref<1x!tpu.dma_semaphore, #tpu.memory_space<semaphore_mem>> -> memref<!tpu.dma_semaphore, #tpu.memory_space<semaphore_mem>>
      tpu.wait_indirect_dma semaphore(%dma_wait3A_72 : memref<!tpu.dma_semaphore, #tpu.memory_space<semaphore_mem>>) src(%dma_wait3A_70 : memref<10240x16xf32, #tpu.memory_space<vmem_shared>>) dst(%arg17 : memref<80x16xf32, #tpu.memory_space<vmem>>)
      %dma_wait3A_73 = arith.constant 0 : i32
      %dma_wait3A_74 = arith.constant 0 : i32
      %dma_wait3A_75 = arith.constant 0 : i32
      %dma_wait3A_76 = tpu.memref_slice %arg9[%dma_wait3A_74, %dma_wait3A_75] : memref<10240x80xf32, #tpu.memory_space<vmem_shared>> -> memref<10240x80xf32, #tpu.memory_space<vmem_shared>>
      %dma_wait3A_77 = tpu.memref_slice %arg22[%dma_wait3A_73] : memref<2x!tpu.dma_semaphore, #tpu.memory_space<semaphore_mem>> -> memref<1x!tpu.dma_semaphore, #tpu.memory_space<semaphore_mem>>
      %dma_wait3A_78 = tpu.memref_squeeze %dma_wait3A_77 : memref<1x!tpu.dma_semaphore, #tpu.memory_space<semaphore_mem>> -> memref<!tpu.dma_semaphore, #tpu.memory_space<semaphore_mem>>
      tpu.wait_indirect_dma semaphore(%dma_wait3A_78 : memref<!tpu.dma_semaphore, #tpu.memory_space<semaphore_mem>>) src(%dma_wait3A_76 : memref<10240x80xf32, #tpu.memory_space<vmem_shared>>) dst(%arg19 : memref<80x80xf32, #tpu.memory_space<vmem>>)
      %get3A = arith.constant 0 : index
      %get3A_79 = tpu.vector_load %arg11[%get3A] {strides = array<i32>} : memref<80xi32, #tpu.memory_space<vmem>>, vector<16xi32>,
      %get3A_80 = vector.shape_cast %get3A_79 : vector<16xi32> to vector<16xi32>
      %swap3A = arith.constant 0 : index
      %swap3A_81 = tpu.vector_load %arg15[%swap3A] {strides = array<i32>} : memref<80xi32, #tpu.memory_space<vmem>>, vector<16xi32>,
      %swap3A_82 = vector.shape_cast %swap3A_81 : vector<16xi32> to vector<16xi32>
      %swap3A_83 = vector.shape_cast %get3A_80 : vector<16xi32> to vector<16xi32>
      tpu.vector_store %arg15[%swap3A], %swap3A_83 {strides = array<i32>} : memref<80xi32, #tpu.memory_space<vmem>>, vector<16xi32>,
      %get3A_84 = arith.constant 16 : index
      %get3A_85 = tpu.vector_load %arg11[%get3A_84] {strides = array<i32>} : memref<80xi32, #tpu.memory_space<vmem>>, vector<16xi32>,
      %get3A_86 = vector.shape_cast %get3A_85 : vector<16xi32> to vector<16xi32>
      %swap3A_87 = arith.constant 16 : index
      %swap3A_88 = tpu.vector_load %arg15[%swap3A_87] {strides = array<i32>} : memref<80xi32, #tpu.memory_space<vmem>>, vector<16xi32>,
      %swap3A_89 = vector.shape_cast %swap3A_88 : vector<16xi32> to vector<16xi32>
      %swap3A_90 = vector.shape_cast %get3A_86 : vector<16xi32> to vector<16xi32>
      tpu.vector_store %arg15[%swap3A_87], %swap3A_90 {strides = array<i32>} : memref<80xi32, #tpu.memory_space<vmem>>, vector<16xi32>,
      %get3A_91 = arith.constant 32 : index
      %get3A_92 = tpu.vector_load %arg11[%get3A_91] {strides = array<i32>} : memref<80xi32, #tpu.memory_space<vmem>>, vector<16xi32>,
      %get3A_93 = vector.shape_cast %get3A_92 : vector<16xi32> to vector<16xi32>
      %swap3A_94 = arith.constant 32 : index
      %swap3A_95 = tpu.vector_load %arg15[%swap3A_94] {strides = array<i32>} : memref<80xi32, #tpu.memory_space<vmem>>, vector<16xi32>,
      %swap3A_96 = vector.shape_cast %swap3A_95 : vector<16xi32> to vector<16xi32>
      %swap3A_97 = vector.shape_cast %get3A_93 : vector<16xi32> to vector<16xi32>
      tpu.vector_store %arg15[%swap3A_94], %swap3A_97 {strides = array<i32>} : memref<80xi32, #tpu.memory_space<vmem>>, vector<16xi32>,
      %get3A_98 = arith.constant 48 : index
      %get3A_99 = tpu.vector_load %arg11[%get3A_98] {strides = array<i32>} : memref<80xi32, #tpu.memory_space<vmem>>, vector<16xi32>,
      %get3A_100 = vector.shape_cast %get3A_99 : vector<16xi32> to vector<16xi32>
      %swap3A_101 = arith.constant 48 : index
      %swap3A_102 = tpu.vector_load %arg15[%swap3A_101] {strides = array<i32>} : memref<80xi32, #tpu.memory_space<vmem>>, vector<16xi32>,
      %swap3A_103 = vector.shape_cast %swap3A_102 : vector<16xi32> to vector<16xi32>
      %swap3A_104 = vector.shape_cast %get3A_100 : vector<16xi32> to vector<16xi32>
      tpu.vector_store %arg15[%swap3A_101], %swap3A_104 {strides = array<i32>} : memref<80xi32, #tpu.memory_space<vmem>>, vector<16xi32>,
      %get3A_105 = arith.constant 64 : index
      %get3A_106 = tpu.vector_load %arg11[%get3A_105] {strides = array<i32>} : memref<80xi32, #tpu.memory_space<vmem>>, vector<16xi32>,
      %get3A_107 = vector.shape_cast %get3A_106 : vector<16xi32> to vector<16xi32>
      %swap3A_108 = arith.constant 64 : index
      %swap3A_109 = tpu.vector_load %arg15[%swap3A_108] {strides = array<i32>} : memref<80xi32, #tpu.memory_space<vmem>>, vector<16xi32>,
      %swap3A_110 = vector.shape_cast %swap3A_109 : vector<16xi32> to vector<16xi32>
      %swap3A_111 = vector.shape_cast %get3A_107 : vector<16xi32> to vector<16xi32>
      tpu.vector_store %arg15[%swap3A_108], %swap3A_111 {strides = array<i32>} : memref<80xi32, #tpu.memory_space<vmem>>, vector<16xi32>,
      %add3A_112 = arith.constant 1 : i32
      %add3A_113 = arith.addi %add3A_66, %add3A_112 : i32
      %lt3A = arith.constant 250 : i32
      %lt3A_114 = arith.cmpi slt, %add3A_113, %lt3A : i32
      %convert_element_type3A = arith.extui %lt3A_114 : i1 to i32
      %cond3A = arith.constant 0 : i32
      %cond3A_115 = arith.cmpi ne, %convert_element_type3A, %cond3A : i32
      scf.if %cond3A_115 {
        %add3A_221 = arith.constant 1 : i32
        %add3A_222 = arith.addi %add3A_66, %add3A_221 : i32
        %dma_start3A_223 = arith.constant 1 : i32
        %dma_start3A_224 = arith.constant 0 : i32
        %dma_start3A_225 = tpu.memref_slice %arg4[%arg1, %add3A_222, %dma_start3A_224] : memref<16x250x80xi32, #tpu.memory_space<hbm>> -> memref<1x1x80xi32, #tpu.memory_space<hbm>>
        %dma_start3A_226 = tpu.memref_squeeze %dma_start3A_225 : memref<1x1x80xi32, #tpu.memory_space<hbm>> -> memref<80xi32, #tpu.memory_space<hbm>>
        %dma_start3A_227 = tpu.memref_slice %arg21[%dma_start3A_223] : memref<2x!tpu.dma_semaphore, #tpu.memory_space<semaphore_mem>> -> memref<1x!tpu.dma_semaphore, #tpu.memory_space<semaphore_mem>>
        %dma_start3A_228 = tpu.memref_squeeze %dma_start3A_227 : memref<1x!tpu.dma_semaphore, #tpu.memory_space<semaphore_mem>> -> memref<!tpu.dma_semaphore, #tpu.memory_space<semaphore_mem>>
        %dma_start3A_229 = arith.constant 0 : i32
        %dma_start3A_230 = tpu.memref_slice %arg4[%arg1, %add3A_222, %dma_start3A_229] : memref<16x250x80xi32, #tpu.memory_space<hbm>> -> memref<1x1x80xi32, #tpu.memory_space<hbm>>
        %dma_start3A_231 = tpu.memref_squeeze %dma_start3A_230 : memref<1x1x80xi32, #tpu.memory_space<hbm>> -> memref<80xi32, #tpu.memory_space<hbm>>
        tpu.enqueue_dma source(%dma_start3A_231 : memref<80xi32, #tpu.memory_space<hbm>>) target(%arg12 : memref<80xi32, #tpu.memory_space<vmem>>) target_semaphore(%dma_start3A_228 : memref<!tpu.dma_semaphore, #tpu.memory_space<semaphore_mem>>)
        %dma_start3A_232 = arith.constant 1 : i32
        %dma_start3A_233 = arith.constant 0 : i32
        %dma_start3A_234 = tpu.memref_slice %arg5[%arg1, %add3A_222, %dma_start3A_233] : memref<16x250x80xi32, #tpu.memory_space<hbm>> -> memref<1x1x80xi32, #tpu.memory_space<hbm>>
        %dma_start3A_235 = tpu.memref_squeeze %dma_start3A_234 : memref<1x1x80xi32, #tpu.memory_space<hbm>> -> memref<80xi32, #tpu.memory_space<hbm>>
        %dma_start3A_236 = tpu.memref_slice %arg21[%dma_start3A_232] : memref<2x!tpu.dma_semaphore, #tpu.memory_space<semaphore_mem>> -> memref<1x!tpu.dma_semaphore, #tpu.memory_space<semaphore_mem>>
        %dma_start3A_237 = tpu.memref_squeeze %dma_start3A_236 : memref<1x!tpu.dma_semaphore, #tpu.memory_space<semaphore_mem>> -> memref<!tpu.dma_semaphore, #tpu.memory_space<semaphore_mem>>
        %dma_start3A_238 = arith.constant 0 : i32
        %dma_start3A_239 = tpu.memref_slice %arg5[%arg1, %add3A_222, %dma_start3A_238] : memref<16x250x80xi32, #tpu.memory_space<hbm>> -> memref<1x1x80xi32, #tpu.memory_space<hbm>>
        %dma_start3A_240 = tpu.memref_squeeze %dma_start3A_239 : memref<1x1x80xi32, #tpu.memory_space<hbm>> -> memref<80xi32, #tpu.memory_space<hbm>>
        tpu.enqueue_dma source(%dma_start3A_240 : memref<80xi32, #tpu.memory_space<hbm>>) target(%arg14 : memref<80xi32, #tpu.memory_space<vmem>>) target_semaphore(%dma_start3A_237 : memref<!tpu.dma_semaphore, #tpu.memory_space<semaphore_mem>>)
      } else {
      }
      %scan3A_116 = arith.constant 0 : i32
      %scan3A_117 = arith.constant 0 : i32
      %scan3A_118 = arith.constant 80 : i32
      %scan3A_119 = arith.addi %scan3A_117, %scan3A_118 : i32
      %scan3A_120 = arith.constant 2 : i32
      scf.for %scan3A_221 = %scan3A_117 to %scan3A_119 step %scan3A_120  : i32 {
        %get3A_222 = arith.index_cast %scan3A_221 : i32 to index
        %get3A_223 = arith.constant 0 : index
        %get3A_224 = tpu.vector_load %arg17[%get3A_222, %get3A_223] {strides = array<i32>} : memref<80x16xf32, #tpu.memory_space<vmem>>, vector<1x16xf32>,
        %get3A_225 = vector.shape_cast %get3A_224 : vector<1x16xf32> to vector<16xf32>
        %get3A_226 = arith.index_cast %scan3A_221 : i32 to index
        %get3A_227 = arith.constant 64 : index
        %get3A_228 = tpu.vector_load %arg19[%get3A_226, %get3A_227] {strides = array<i32>} : memref<80x80xf32, #tpu.memory_space<vmem>>, vector<1x16xf32>,
        %get3A_229 = vector.shape_cast %get3A_228 : vector<1x16xf32> to vector<16xf32>
        %add3A_230 = arith.addf %get3A_225, %get3A_229 : vector<16xf32>
        %mul3A_231 = arith.constant 2.000000e-01 : f32
        %mul3A_232 = vector.broadcast %mul3A_231 : f32 to vector<16xf32>
        %mul3A_233 = arith.mulf %add3A_230, %mul3A_232 : vector<16xf32>
        %max3A = arith.maximumf %mul3A_233, %add3A_230 : vector<16xf32>
        %exp3A = math.exp %max3A : vector<16xf32>
        %broadcast_in_dim3A = arith.constant 0 : i32
        %broadcast_in_dim3A_234 = vector.broadcast %broadcast_in_dim3A : i32 to vector<16x1xi32>
        %gather3A = vector.shape_cast %broadcast_in_dim3A_234 : vector<16x1xi32> to vector<16xi32>
        %gather3A_235 = tpu.dynamic_gather %exp3A[%gather3A] in [0] : vector<16xf32>, vector<16xi32> -> vector<16xf32>
        %get3A_236 = arith.index_cast %scan3A_221 : i32 to index
        %get3A_237 = arith.constant 0 : index
        %get3A_238 = tpu.vector_load %arg19[%get3A_236, %get3A_237] {strides = array<i32>} : memref<80x80xf32, #tpu.memory_space<vmem>>, vector<1x16xf32>,
        %get3A_239 = vector.shape_cast %get3A_238 : vector<1x16xf32> to vector<16xf32>
        %mul3A_240 = arith.mulf %get3A_239, %gather3A_235 : vector<16xf32>
        %swap3A_241 = arith.index_cast %scan3A_221 : i32 to index
        %swap3A_242 = arith.constant 0 : index
        %swap3A_243 = tpu.vector_load %arg19[%swap3A_241, %swap3A_242] {strides = array<i32>} : memref<80x80xf32, #tpu.memory_space<vmem>>, vector<1x16xf32>,
        %swap3A_244 = vector.shape_cast %swap3A_243 : vector<1x16xf32> to vector<16xf32>
        %swap3A_245 = vector.shape_cast %mul3A_240 : vector<16xf32> to vector<1x16xf32>
        tpu.vector_store %arg19[%swap3A_241, %swap3A_242], %swap3A_245 {strides = array<i32>} : memref<80x80xf32, #tpu.memory_space<vmem>>, vector<1x16xf32>,
        %broadcast_in_dim3A_246 = arith.constant 1 : i32
        %broadcast_in_dim3A_247 = vector.broadcast %broadcast_in_dim3A_246 : i32 to vector<16x1xi32>
        %gather3A_248 = vector.shape_cast %broadcast_in_dim3A_247 : vector<16x1xi32> to vector<16xi32>
        %gather3A_249 = tpu.dynamic_gather %exp3A[%gather3A_248] in [0] : vector<16xf32>, vector<16xi32> -> vector<16xf32>
        %get3A_250 = arith.index_cast %scan3A_221 : i32 to index
        %get3A_251 = arith.constant 16 : index
        %get3A_252 = tpu.vector_load %arg19[%get3A_250, %get3A_251] {strides = array<i32>} : memref<80x80xf32, #tpu.memory_space<vmem>>, vector<1x16xf32>,
        %get3A_253 = vector.shape_cast %get3A_252 : vector<1x16xf32> to vector<16xf32>
        %mul3A_254 = arith.mulf %get3A_253, %gather3A_249 : vector<16xf32>
        %swap3A_255 = arith.index_cast %scan3A_221 : i32 to index
        %swap3A_256 = arith.constant 16 : index
        %swap3A_257 = tpu.vector_load %arg19[%swap3A_255, %swap3A_256] {strides = array<i32>} : memref<80x80xf32, #tpu.memory_space<vmem>>, vector<1x16xf32>,
        %swap3A_258 = vector.shape_cast %swap3A_257 : vector<1x16xf32> to vector<16xf32>
        %swap3A_259 = vector.shape_cast %mul3A_254 : vector<16xf32> to vector<1x16xf32>
        tpu.vector_store %arg19[%swap3A_255, %swap3A_256], %swap3A_259 {strides = array<i32>} : memref<80x80xf32, #tpu.memory_space<vmem>>, vector<1x16xf32>,
        %broadcast_in_dim3A_260 = arith.constant 2 : i32
        %broadcast_in_dim3A_261 = vector.broadcast %broadcast_in_dim3A_260 : i32 to vector<16x1xi32>
        %gather3A_262 = vector.shape_cast %broadcast_in_dim3A_261 : vector<16x1xi32> to vector<16xi32>
        %gather3A_263 = tpu.dynamic_gather %exp3A[%gather3A_262] in [0] : vector<16xf32>, vector<16xi32> -> vector<16xf32>
        %get3A_264 = arith.index_cast %scan3A_221 : i32 to index
        %get3A_265 = arith.constant 32 : index
        %get3A_266 = tpu.vector_load %arg19[%get3A_264, %get3A_265] {strides = array<i32>} : memref<80x80xf32, #tpu.memory_space<vmem>>, vector<1x16xf32>,
        %get3A_267 = vector.shape_cast %get3A_266 : vector<1x16xf32> to vector<16xf32>
        %mul3A_268 = arith.mulf %get3A_267, %gather3A_263 : vector<16xf32>
        %swap3A_269 = arith.index_cast %scan3A_221 : i32 to index
        %swap3A_270 = arith.constant 32 : index
        %swap3A_271 = tpu.vector_load %arg19[%swap3A_269, %swap3A_270] {strides = array<i32>} : memref<80x80xf32, #tpu.memory_space<vmem>>, vector<1x16xf32>,
        %swap3A_272 = vector.shape_cast %swap3A_271 : vector<1x16xf32> to vector<16xf32>
        %swap3A_273 = vector.shape_cast %mul3A_268 : vector<16xf32> to vector<1x16xf32>
        tpu.vector_store %arg19[%swap3A_269, %swap3A_270], %swap3A_273 {strides = array<i32>} : memref<80x80xf32, #tpu.memory_space<vmem>>, vector<1x16xf32>,
        %broadcast_in_dim3A_274 = arith.constant 3 : i32
        %broadcast_in_dim3A_275 = vector.broadcast %broadcast_in_dim3A_274 : i32 to vector<16x1xi32>
        %gather3A_276 = vector.shape_cast %broadcast_in_dim3A_275 : vector<16x1xi32> to vector<16xi32>
        %gather3A_277 = tpu.dynamic_gather %exp3A[%gather3A_276] in [0] : vector<16xf32>, vector<16xi32> -> vector<16xf32>
        %get3A_278 = arith.index_cast %scan3A_221 : i32 to index
        %get3A_279 = arith.constant 48 : index
        %get3A_280 = tpu.vector_load %arg19[%get3A_278, %get3A_279] {strides = array<i32>} : memref<80x80xf32, #tpu.memory_space<vmem>>, vector<1x16xf32>,
        %get3A_281 = vector.shape_cast %get3A_280 : vector<1x16xf32> to vector<16xf32>
        %mul3A_282 = arith.mulf %get3A_281, %gather3A_277 : vector<16xf32>
        %swap3A_283 = arith.index_cast %scan3A_221 : i32 to index
        %swap3A_284 = arith.constant 48 : index
        %swap3A_285 = tpu.vector_load %arg19[%swap3A_283, %swap3A_284] {strides = array<i32>} : memref<80x80xf32, #tpu.memory_space<vmem>>, vector<1x16xf32>,
        %swap3A_286 = vector.shape_cast %swap3A_285 : vector<1x16xf32> to vector<16xf32>
        %swap3A_287 = vector.shape_cast %mul3A_282 : vector<16xf32> to vector<1x16xf32>
        tpu.vector_store %arg19[%swap3A_283, %swap3A_284], %swap3A_287 {strides = array<i32>} : memref<80x80xf32, #tpu.memory_space<vmem>>, vector<1x16xf32>,
        %swap3A_288 = arith.index_cast %scan3A_221 : i32 to index
        %swap3A_289 = arith.constant 64 : index
        %swap3A_290 = tpu.vector_load %arg19[%swap3A_288, %swap3A_289] {strides = array<i32>} : memref<80x80xf32, #tpu.memory_space<vmem>>, vector<1x16xf32>,
        %swap3A_291 = vector.shape_cast %swap3A_290 : vector<1x16xf32> to vector<16xf32>
        %swap3A_292 = vector.shape_cast %exp3A : vector<16xf32> to vector<1x16xf32>
        tpu.vector_store %arg19[%swap3A_288, %swap3A_289], %swap3A_292 {strides = array<i32>} : memref<80x80xf32, #tpu.memory_space<vmem>>, vector<1x16xf32>,
        %scan3A_293 = arith.constant 1 : i32
        %scan3A_294 = arith.addi %scan3A_221, %scan3A_293 : i32
        %get3A_295 = arith.index_cast %scan3A_294 : i32 to index
        %get3A_296 = arith.constant 0 : index
        %get3A_297 = tpu.vector_load %arg17[%get3A_295, %get3A_296] {strides = array<i32>} : memref<80x16xf32, #tpu.memory_space<vmem>>, vector<1x16xf32>,
        %get3A_298 = vector.shape_cast %get3A_297 : vector<1x16xf32> to vector<16xf32>
        %get3A_299 = arith.index_cast %scan3A_294 : i32 to index
        %get3A_300 = arith.constant 64 : index
        %get3A_301 = tpu.vector_load %arg19[%get3A_299, %get3A_300] {strides = array<i32>} : memref<80x80xf32, #tpu.memory_space<vmem>>, vector<1x16xf32>,
        %get3A_302 = vector.shape_cast %get3A_301 : vector<1x16xf32> to vector<16xf32>
        %add3A_303 = arith.addf %get3A_298, %get3A_302 : vector<16xf32>
        %mul3A_304 = arith.constant 2.000000e-01 : f32
        %mul3A_305 = vector.broadcast %mul3A_304 : f32 to vector<16xf32>
        %mul3A_306 = arith.mulf %add3A_303, %mul3A_305 : vector<16xf32>
        %max3A_307 = arith.maximumf %mul3A_306, %add3A_303 : vector<16xf32>
        %exp3A_308 = math.exp %max3A_307 : vector<16xf32>
        %broadcast_in_dim3A_309 = arith.constant 0 : i32
        %broadcast_in_dim3A_310 = vector.broadcast %broadcast_in_dim3A_309 : i32 to vector<16x1xi32>
        %gather3A_311 = vector.shape_cast %broadcast_in_dim3A_310 : vector<16x1xi32> to vector<16xi32>
        %gather3A_312 = tpu.dynamic_gather %exp3A_308[%gather3A_311] in [0] : vector<16xf32>, vector<16xi32> -> vector<16xf32>
        %get3A_313 = arith.index_cast %scan3A_294 : i32 to index
        %get3A_314 = arith.constant 0 : index
        %get3A_315 = tpu.vector_load %arg19[%get3A_313, %get3A_314] {strides = array<i32>} : memref<80x80xf32, #tpu.memory_space<vmem>>, vector<1x16xf32>,
        %get3A_316 = vector.shape_cast %get3A_315 : vector<1x16xf32> to vector<16xf32>
        %mul3A_317 = arith.mulf %get3A_316, %gather3A_312 : vector<16xf32>
        %swap3A_318 = arith.index_cast %scan3A_294 : i32 to index
        %swap3A_319 = arith.constant 0 : index
        %swap3A_320 = tpu.vector_load %arg19[%swap3A_318, %swap3A_319] {strides = array<i32>} : memref<80x80xf32, #tpu.memory_space<vmem>>, vector<1x16xf32>,
        %swap3A_321 = vector.shape_cast %swap3A_320 : vector<1x16xf32> to vector<16xf32>
        %swap3A_322 = vector.shape_cast %mul3A_317 : vector<16xf32> to vector<1x16xf32>
        tpu.vector_store %arg19[%swap3A_318, %swap3A_319], %swap3A_322 {strides = array<i32>} : memref<80x80xf32, #tpu.memory_space<vmem>>, vector<1x16xf32>,
        %broadcast_in_dim3A_323 = arith.constant 1 : i32
        %broadcast_in_dim3A_324 = vector.broadcast %broadcast_in_dim3A_323 : i32 to vector<16x1xi32>
        %gather3A_325 = vector.shape_cast %broadcast_in_dim3A_324 : vector<16x1xi32> to vector<16xi32>
        %gather3A_326 = tpu.dynamic_gather %exp3A_308[%gather3A_325] in [0] : vector<16xf32>, vector<16xi32> -> vector<16xf32>
        %get3A_327 = arith.index_cast %scan3A_294 : i32 to index
        %get3A_328 = arith.constant 16 : index
        %get3A_329 = tpu.vector_load %arg19[%get3A_327, %get3A_328] {strides = array<i32>} : memref<80x80xf32, #tpu.memory_space<vmem>>, vector<1x16xf32>,
        %get3A_330 = vector.shape_cast %get3A_329 : vector<1x16xf32> to vector<16xf32>
        %mul3A_331 = arith.mulf %get3A_330, %gather3A_326 : vector<16xf32>
        %swap3A_332 = arith.index_cast %scan3A_294 : i32 to index
        %swap3A_333 = arith.constant 16 : index
        %swap3A_334 = tpu.vector_load %arg19[%swap3A_332, %swap3A_333] {strides = array<i32>} : memref<80x80xf32, #tpu.memory_space<vmem>>, vector<1x16xf32>,
        %swap3A_335 = vector.shape_cast %swap3A_334 : vector<1x16xf32> to vector<16xf32>
        %swap3A_336 = vector.shape_cast %mul3A_331 : vector<16xf32> to vector<1x16xf32>
        tpu.vector_store %arg19[%swap3A_332, %swap3A_333], %swap3A_336 {strides = array<i32>} : memref<80x80xf32, #tpu.memory_space<vmem>>, vector<1x16xf32>,
        %broadcast_in_dim3A_337 = arith.constant 2 : i32
        %broadcast_in_dim3A_338 = vector.broadcast %broadcast_in_dim3A_337 : i32 to vector<16x1xi32>
        %gather3A_339 = vector.shape_cast %broadcast_in_dim3A_338 : vector<16x1xi32> to vector<16xi32>
        %gather3A_340 = tpu.dynamic_gather %exp3A_308[%gather3A_339] in [0] : vector<16xf32>, vector<16xi32> -> vector<16xf32>
        %get3A_341 = arith.index_cast %scan3A_294 : i32 to index
        %get3A_342 = arith.constant 32 : index
        %get3A_343 = tpu.vector_load %arg19[%get3A_341, %get3A_342] {strides = array<i32>} : memref<80x80xf32, #tpu.memory_space<vmem>>, vector<1x16xf32>,
        %get3A_344 = vector.shape_cast %get3A_343 : vector<1x16xf32> to vector<16xf32>
        %mul3A_345 = arith.mulf %get3A_344, %gather3A_340 : vector<16xf32>
        %swap3A_346 = arith.index_cast %scan3A_294 : i32 to index
        %swap3A_347 = arith.constant 32 : index
        %swap3A_348 = tpu.vector_load %arg19[%swap3A_346, %swap3A_347] {strides = array<i32>} : memref<80x80xf32, #tpu.memory_space<vmem>>, vector<1x16xf32>,
        %swap3A_349 = vector.shape_cast %swap3A_348 : vector<1x16xf32> to vector<16xf32>
        %swap3A_350 = vector.shape_cast %mul3A_345 : vector<16xf32> to vector<1x16xf32>
        tpu.vector_store %arg19[%swap3A_346, %swap3A_347], %swap3A_350 {strides = array<i32>} : memref<80x80xf32, #tpu.memory_space<vmem>>, vector<1x16xf32>,
        %broadcast_in_dim3A_351 = arith.constant 3 : i32
        %broadcast_in_dim3A_352 = vector.broadcast %broadcast_in_dim3A_351 : i32 to vector<16x1xi32>
        %gather3A_353 = vector.shape_cast %broadcast_in_dim3A_352 : vector<16x1xi32> to vector<16xi32>
        %gather3A_354 = tpu.dynamic_gather %exp3A_308[%gather3A_353] in [0] : vector<16xf32>, vector<16xi32> -> vector<16xf32>
        %get3A_355 = arith.index_cast %scan3A_294 : i32 to index
        %get3A_356 = arith.constant 48 : index
        %get3A_357 = tpu.vector_load %arg19[%get3A_355, %get3A_356] {strides = array<i32>} : memref<80x80xf32, #tpu.memory_space<vmem>>, vector<1x16xf32>,
        %get3A_358 = vector.shape_cast %get3A_357 : vector<1x16xf32> to vector<16xf32>
        %mul3A_359 = arith.mulf %get3A_358, %gather3A_354 : vector<16xf32>
        %swap3A_360 = arith.index_cast %scan3A_294 : i32 to index
        %swap3A_361 = arith.constant 48 : index
        %swap3A_362 = tpu.vector_load %arg19[%swap3A_360, %swap3A_361] {strides = array<i32>} : memref<80x80xf32, #tpu.memory_space<vmem>>, vector<1x16xf32>,
        %swap3A_363 = vector.shape_cast %swap3A_362 : vector<1x16xf32> to vector<16xf32>
        %swap3A_364 = vector.shape_cast %mul3A_359 : vector<16xf32> to vector<1x16xf32>
        tpu.vector_store %arg19[%swap3A_360, %swap3A_361], %swap3A_364 {strides = array<i32>} : memref<80x80xf32, #tpu.memory_space<vmem>>, vector<1x16xf32>,
        %swap3A_365 = arith.index_cast %scan3A_294 : i32 to index
        %swap3A_366 = arith.constant 64 : index
        %swap3A_367 = tpu.vector_load %arg19[%swap3A_365, %swap3A_366] {strides = array<i32>} : memref<80x80xf32, #tpu.memory_space<vmem>>, vector<1x16xf32>,
        %swap3A_368 = vector.shape_cast %swap3A_367 : vector<1x16xf32> to vector<16xf32>
        %swap3A_369 = vector.shape_cast %exp3A_308 : vector<16xf32> to vector<1x16xf32>
        tpu.vector_store %arg19[%swap3A_365, %swap3A_366], %swap3A_369 {strides = array<i32>} : memref<80x80xf32, #tpu.memory_space<vmem>>, vector<1x16xf32>,
      }
      %scan3A_121 = arith.constant 80 : i32
      %dma_start3A_122 = arith.constant 0 : i32
      %dma_start3A_123 = arith.constant 0 : i32
      %dma_start3A_124 = arith.constant 0 : i32
      %dma_start3A_125 = tpu.memref_slice %arg8[%dma_start3A_123, %dma_start3A_124] : memref<10240x80xf32, #tpu.memory_space<vmem_shared>> -> memref<10240x80xf32, #tpu.memory_space<vmem_shared>>
      %dma_start3A_126 = tpu.memref_slice %arg23[%dma_start3A_122] : memref<2x!tpu.dma_semaphore, #tpu.memory_space<semaphore_mem>> -> memref<1x!tpu.dma_semaphore, #tpu.memory_space<semaphore_mem>>
      %dma_start3A_127 = tpu.memref_squeeze %dma_start3A_126 : memref<1x!tpu.dma_semaphore, #tpu.memory_space<semaphore_mem>> -> memref<!tpu.dma_semaphore, #tpu.memory_space<semaphore_mem>>
      tpu.enqueue_indirect_dma source(%arg19 : memref<80x80xf32, #tpu.memory_space<vmem>>) target(%dma_start3A_125 : memref<10240x80xf32, #tpu.memory_space<vmem_shared>>) offsets(%arg15 : memref<80xi32, #tpu.memory_space<vmem>>) semaphore(%dma_start3A_127 : memref<!tpu.dma_semaphore, #tpu.memory_space<semaphore_mem>>) {add = true}
      %ge3A = arith.constant 1 : i32
      %ge3A_128 = arith.cmpi sge, %add3A_66, %ge3A : i32
      %convert_element_type3A_129 = arith.extui %ge3A_128 : i1 to i32
      %cond3A_130 = arith.constant 0 : i32
      %cond3A_131 = arith.cmpi ne, %convert_element_type3A_129, %cond3A_130 : i32
      scf.if %cond3A_131 {
        %dma_wait3A_221 = arith.constant 1 : i32
        %dma_wait3A_222 = arith.constant 0 : i32
        %dma_wait3A_223 = arith.constant 0 : i32
        %dma_wait3A_224 = tpu.memref_slice %arg8[%dma_wait3A_222, %dma_wait3A_223] : memref<10240x80xf32, #tpu.memory_space<vmem_shared>> -> memref<10240x80xf32, #tpu.memory_space<vmem_shared>>
        %dma_wait3A_225 = tpu.memref_slice %arg23[%dma_wait3A_221] : memref<2x!tpu.dma_semaphore, #tpu.memory_space<semaphore_mem>> -> memref<1x!tpu.dma_semaphore, #tpu.memory_space<semaphore_mem>>
        %dma_wait3A_226 = tpu.memref_squeeze %dma_wait3A_225 : memref<1x!tpu.dma_semaphore, #tpu.memory_space<semaphore_mem>> -> memref<!tpu.dma_semaphore, #tpu.memory_space<semaphore_mem>>
        tpu.wait_indirect_dma semaphore(%dma_wait3A_226 : memref<!tpu.dma_semaphore, #tpu.memory_space<semaphore_mem>>) src(%arg20 : memref<80x80xf32, #tpu.memory_space<vmem>>) dst(%dma_wait3A_224 : memref<10240x80xf32, #tpu.memory_space<vmem_shared>>)
      } else {
      }
      %add3A_132 = arith.constant 1 : i32
      %add3A_133 = arith.addi %add3A_66, %add3A_132 : i32
      %lt3A_134 = arith.constant 250 : i32
      %lt3A_135 = arith.cmpi slt, %add3A_133, %lt3A_134 : i32
      %convert_element_type3A_136 = arith.extui %lt3A_135 : i1 to i32
      %cond3A_137 = arith.constant 0 : i32
      %cond3A_138 = arith.cmpi ne, %convert_element_type3A_136, %cond3A_137 : i32
      scf.if %cond3A_138 {
        %add3A_221 = arith.constant 1 : i32
        %add3A_222 = arith.addi %add3A_66, %add3A_221 : i32
        %dma_wait3A_223 = arith.constant 1 : i32
        %dma_wait3A_224 = arith.constant 0 : i32
        %dma_wait3A_225 = tpu.memref_slice %arg4[%arg1, %add3A_222, %dma_wait3A_224] : memref<16x250x80xi32, #tpu.memory_space<hbm>> -> memref<1x1x80xi32, #tpu.memory_space<hbm>>
        %dma_wait3A_226 = tpu.memref_squeeze %dma_wait3A_225 : memref<1x1x80xi32, #tpu.memory_space<hbm>> -> memref<80xi32, #tpu.memory_space<hbm>>
        %dma_wait3A_227 = tpu.memref_slice %arg21[%dma_wait3A_223] : memref<2x!tpu.dma_semaphore, #tpu.memory_space<semaphore_mem>> -> memref<1x!tpu.dma_semaphore, #tpu.memory_space<semaphore_mem>>
        %dma_wait3A_228 = tpu.memref_squeeze %dma_wait3A_227 : memref<1x!tpu.dma_semaphore, #tpu.memory_space<semaphore_mem>> -> memref<!tpu.dma_semaphore, #tpu.memory_space<semaphore_mem>>
        %dma_wait3A_229 = arith.constant 0 : i32
        %dma_wait3A_230 = tpu.memref_slice %arg4[%arg1, %add3A_222, %dma_wait3A_229] : memref<16x250x80xi32, #tpu.memory_space<hbm>> -> memref<1x1x80xi32, #tpu.memory_space<hbm>>
        %dma_wait3A_231 = tpu.memref_squeeze %dma_wait3A_230 : memref<1x1x80xi32, #tpu.memory_space<hbm>> -> memref<80xi32, #tpu.memory_space<hbm>>
        tpu.wait_dma2 semaphore(%dma_wait3A_228 : memref<!tpu.dma_semaphore, #tpu.memory_space<semaphore_mem>>) src(%dma_wait3A_231 : memref<80xi32, #tpu.memory_space<hbm>>) dst(%arg12 : memref<80xi32, #tpu.memory_space<vmem>>)
        %dma_wait3A_232 = arith.constant 1 : i32
        %dma_wait3A_233 = arith.constant 0 : i32
        %dma_wait3A_234 = tpu.memref_slice %arg5[%arg1, %add3A_222, %dma_wait3A_233] : memref<16x250x80xi32, #tpu.memory_space<hbm>> -> memref<1x1x80xi32, #tpu.memory_space<hbm>>
        %dma_wait3A_235 = tpu.memref_squeeze %dma_wait3A_234 : memref<1x1x80xi32, #tpu.memory_space<hbm>> -> memref<80xi32, #tpu.memory_space<hbm>>
        %dma_wait3A_236 = tpu.memref_slice %arg21[%dma_wait3A_232] : memref<2x!tpu.dma_semaphore, #tpu.memory_space<semaphore_mem>> -> memref<1x!tpu.dma_semaphore, #tpu.memory_space<semaphore_mem>>
        %dma_wait3A_237 = tpu.memref_squeeze %dma_wait3A_236 : memref<1x!tpu.dma_semaphore, #tpu.memory_space<semaphore_mem>> -> memref<!tpu.dma_semaphore, #tpu.memory_space<semaphore_mem>>
        %dma_wait3A_238 = arith.constant 0 : i32
        %dma_wait3A_239 = tpu.memref_slice %arg5[%arg1, %add3A_222, %dma_wait3A_238] : memref<16x250x80xi32, #tpu.memory_space<hbm>> -> memref<1x1x80xi32, #tpu.memory_space<hbm>>
        %dma_wait3A_240 = tpu.memref_squeeze %dma_wait3A_239 : memref<1x1x80xi32, #tpu.memory_space<hbm>> -> memref<80xi32, #tpu.memory_space<hbm>>
        tpu.wait_dma2 semaphore(%dma_wait3A_237 : memref<!tpu.dma_semaphore, #tpu.memory_space<semaphore_mem>>) src(%dma_wait3A_240 : memref<80xi32, #tpu.memory_space<hbm>>) dst(%arg14 : memref<80xi32, #tpu.memory_space<vmem>>)
        %dma_start3A_241 = arith.constant 1 : i32
        %dma_start3A_242 = arith.constant 0 : i32
        %dma_start3A_243 = arith.constant 0 : i32
        %dma_start3A_244 = tpu.memref_slice %arg10[%dma_start3A_242, %dma_start3A_243] : memref<10240x16xf32, #tpu.memory_space<vmem_shared>> -> memref<10240x16xf32, #tpu.memory_space<vmem_shared>>
        %dma_start3A_245 = tpu.memref_slice %arg22[%dma_start3A_241] : memref<2x!tpu.dma_semaphore, #tpu.memory_space<semaphore_mem>> -> memref<1x!tpu.dma_semaphore, #tpu.memory_space<semaphore_mem>>
        %dma_start3A_246 = tpu.memref_squeeze %dma_start3A_245 : memref<1x!tpu.dma_semaphore, #tpu.memory_space<semaphore_mem>> -> memref<!tpu.dma_semaphore, #tpu.memory_space<semaphore_mem>>
        tpu.enqueue_indirect_dma source(%dma_start3A_244 : memref<10240x16xf32, #tpu.memory_space<vmem_shared>>) target(%arg18 : memref<80x16xf32, #tpu.memory_space<vmem>>) offsets(%arg12 : memref<80xi32, #tpu.memory_space<vmem>>) semaphore(%dma_start3A_246 : memref<!tpu.dma_semaphore, #tpu.memory_space<semaphore_mem>>)
        %dma_start3A_247 = arith.constant 1 : i32
        %dma_start3A_248 = arith.constant 0 : i32
        %dma_start3A_249 = arith.constant 0 : i32
        %dma_start3A_250 = tpu.memref_slice %arg9[%dma_start3A_248, %dma_start3A_249] : memref<10240x80xf32, #tpu.memory_space<vmem_shared>> -> memref<10240x80xf32, #tpu.memory_space<vmem_shared>>
        %dma_start3A_251 = tpu.memref_slice %arg22[%dma_start3A_247] : memref<2x!tpu.dma_semaphore, #tpu.memory_space<semaphore_mem>> -> memref<1x!tpu.dma_semaphore, #tpu.memory_space<semaphore_mem>>
        %dma_start3A_252 = tpu.memref_squeeze %dma_start3A_251 : memref<1x!tpu.dma_semaphore, #tpu.memory_space<semaphore_mem>> -> memref<!tpu.dma_semaphore, #tpu.memory_space<semaphore_mem>>
        tpu.enqueue_indirect_dma source(%dma_start3A_250 : memref<10240x80xf32, #tpu.memory_space<vmem_shared>>) target(%arg20 : memref<80x80xf32, #tpu.memory_space<vmem>>) offsets(%arg14 : memref<80xi32, #tpu.memory_space<vmem>>) semaphore(%dma_start3A_252 : memref<!tpu.dma_semaphore, #tpu.memory_space<semaphore_mem>>)
      } else {
      }
      %mul3A_139 = arith.constant 2 : i32
      %mul3A_140 = arith.muli %mul3A_139, %scan3A_63 : i32
      %add3A_141 = arith.constant 1 : i32
      %add3A_142 = arith.addi %mul3A_140, %add3A_141 : i32
      %dma_wait3A_143 = arith.constant 1 : i32
      %dma_wait3A_144 = arith.constant 0 : i32
      %dma_wait3A_145 = arith.constant 0 : i32
      %dma_wait3A_146 = tpu.memref_slice %arg10[%dma_wait3A_144, %dma_wait3A_145] : memref<10240x16xf32, #tpu.memory_space<vmem_shared>> -> memref<10240x16xf32, #tpu.memory_space<vmem_shared>>
      %dma_wait3A_147 = tpu.memref_slice %arg22[%dma_wait3A_143] : memref<2x!tpu.dma_semaphore, #tpu.memory_space<semaphore_mem>> -> memref<1x!tpu.dma_semaphore, #tpu.memory_space<semaphore_mem>>
      %dma_wait3A_148 = tpu.memref_squeeze %dma_wait3A_147 : memref<1x!tpu.dma_semaphore, #tpu.memory_space<semaphore_mem>> -> memref<!tpu.dma_semaphore, #tpu.memory_space<semaphore_mem>>
      tpu.wait_indirect_dma semaphore(%dma_wait3A_148 : memref<!tpu.dma_semaphore, #tpu.memory_space<semaphore_mem>>) src(%dma_wait3A_146 : memref<10240x16xf32, #tpu.memory_space<vmem_shared>>) dst(%arg18 : memref<80x16xf32, #tpu.memory_space<vmem>>)
      %dma_wait3A_149 = arith.constant 1 : i32
      %dma_wait3A_150 = arith.constant 0 : i32
      %dma_wait3A_151 = arith.constant 0 : i32
      %dma_wait3A_152 = tpu.memref_slice %arg9[%dma_wait3A_150, %dma_wait3A_151] : memref<10240x80xf32, #tpu.memory_space<vmem_shared>> -> memref<10240x80xf32, #tpu.memory_space<vmem_shared>>
      %dma_wait3A_153 = tpu.memref_slice %arg22[%dma_wait3A_149] : memref<2x!tpu.dma_semaphore, #tpu.memory_space<semaphore_mem>> -> memref<1x!tpu.dma_semaphore, #tpu.memory_space<semaphore_mem>>
      %dma_wait3A_154 = tpu.memref_squeeze %dma_wait3A_153 : memref<1x!tpu.dma_semaphore, #tpu.memory_space<semaphore_mem>> -> memref<!tpu.dma_semaphore, #tpu.memory_space<semaphore_mem>>
      tpu.wait_indirect_dma semaphore(%dma_wait3A_154 : memref<!tpu.dma_semaphore, #tpu.memory_space<semaphore_mem>>) src(%dma_wait3A_152 : memref<10240x80xf32, #tpu.memory_space<vmem_shared>>) dst(%arg20 : memref<80x80xf32, #tpu.memory_space<vmem>>)
      %get3A_155 = arith.constant 0 : index
      %get3A_156 = tpu.vector_load %arg12[%get3A_155] {strides = array<i32>} : memref<80xi32, #tpu.memory_space<vmem>>, vector<16xi32>,
      %get3A_157 = vector.shape_cast %get3A_156 : vector<16xi32> to vector<16xi32>
      %swap3A_158 = arith.constant 0 : index
      %swap3A_159 = tpu.vector_load %arg16[%swap3A_158] {strides = array<i32>} : memref<80xi32, #tpu.memory_space<vmem>>, vector<16xi32>,
      %swap3A_160 = vector.shape_cast %swap3A_159 : vector<16xi32> to vector<16xi32>
      %swap3A_161 = vector.shape_cast %get3A_157 : vector<16xi32> to vector<16xi32>
      tpu.vector_store %arg16[%swap3A_158], %swap3A_161 {strides = array<i32>} : memref<80xi32, #tpu.memory_space<vmem>>, vector<16xi32>,
      %get3A_162 = arith.constant 16 : index
      %get3A_163 = tpu.vector_load %arg12[%get3A_162] {strides = array<i32>} : memref<80xi32, #tpu.memory_space<vmem>>, vector<16xi32>,
      %get3A_164 = vector.shape_cast %get3A_163 : vector<16xi32> to vector<16xi32>
      %swap3A_165 = arith.constant 16 : index
      %swap3A_166 = tpu.vector_load %arg16[%swap3A_165] {strides = array<i32>} : memref<80xi32, #tpu.memory_space<vmem>>, vector<16xi32>,
      %swap3A_167 = vector.shape_cast %swap3A_166 : vector<16xi32> to vector<16xi32>
      %swap3A_168 = vector.shape_cast %get3A_164 : vector<16xi32> to vector<16xi32>
      tpu.vector_store %arg16[%swap3A_165], %swap3A_168 {strides = array<i32>} : memref<80xi32, #tpu.memory_space<vmem>>, vector<16xi32>,
      %get3A_169 = arith.constant 32 : index
      %get3A_170 = tpu.vector_load %arg12[%get3A_169] {strides = array<i32>} : memref<80xi32, #tpu.memory_space<vmem>>, vector<16xi32>,
      %get3A_171 = vector.shape_cast %get3A_170 : vector<16xi32> to vector<16xi32>
      %swap3A_172 = arith.constant 32 : index
      %swap3A_173 = tpu.vector_load %arg16[%swap3A_172] {strides = array<i32>} : memref<80xi32, #tpu.memory_space<vmem>>, vector<16xi32>,
      %swap3A_174 = vector.shape_cast %swap3A_173 : vector<16xi32> to vector<16xi32>
      %swap3A_175 = vector.shape_cast %get3A_171 : vector<16xi32> to vector<16xi32>
      tpu.vector_store %arg16[%swap3A_172], %swap3A_175 {strides = array<i32>} : memref<80xi32, #tpu.memory_space<vmem>>, vector<16xi32>,
      %get3A_176 = arith.constant 48 : index
      %get3A_177 = tpu.vector_load %arg12[%get3A_176] {strides = array<i32>} : memref<80xi32, #tpu.memory_space<vmem>>, vector<16xi32>,
      %get3A_178 = vector.shape_cast %get3A_177 : vector<16xi32> to vector<16xi32>
      %swap3A_179 = arith.constant 48 : index
      %swap3A_180 = tpu.vector_load %arg16[%swap3A_179] {strides = array<i32>} : memref<80xi32, #tpu.memory_space<vmem>>, vector<16xi32>,
      %swap3A_181 = vector.shape_cast %swap3A_180 : vector<16xi32> to vector<16xi32>
      %swap3A_182 = vector.shape_cast %get3A_178 : vector<16xi32> to vector<16xi32>
      tpu.vector_store %arg16[%swap3A_179], %swap3A_182 {strides = array<i32>} : memref<80xi32, #tpu.memory_space<vmem>>, vector<16xi32>,
      %get3A_183 = arith.constant 64 : index
      %get3A_184 = tpu.vector_load %arg12[%get3A_183] {strides = array<i32>} : memref<80xi32, #tpu.memory_space<vmem>>, vector<16xi32>,
      %get3A_185 = vector.shape_cast %get3A_184 : vector<16xi32> to vector<16xi32>
      %swap3A_186 = arith.constant 64 : index
      %swap3A_187 = tpu.vector_load %arg16[%swap3A_186] {strides = array<i32>} : memref<80xi32, #tpu.memory_space<vmem>>, vector<16xi32>,
      %swap3A_188 = vector.shape_cast %swap3A_187 : vector<16xi32> to vector<16xi32>
      %swap3A_189 = vector.shape_cast %get3A_185 : vector<16xi32> to vector<16xi32>
      tpu.vector_store %arg16[%swap3A_186], %swap3A_189 {strides = array<i32>} : memref<80xi32, #tpu.memory_space<vmem>>, vector<16xi32>,
      %add3A_190 = arith.constant 1 : i32
      %add3A_191 = arith.addi %add3A_142, %add3A_190 : i32
      %lt3A_192 = arith.constant 250 : i32
      %lt3A_193 = arith.cmpi slt, %add3A_191, %lt3A_192 : i32
      %convert_element_type3A_194 = arith.extui %lt3A_193 : i1 to i32
      %cond3A_195 = arith.constant 0 : i32
      %cond3A_196 = arith.cmpi ne, %convert_element_type3A_194, %cond3A_195 : i32
      scf.if %cond3A_196 {
        %add3A_221 = arith.constant 1 : i32
        %add3A_222 = arith.addi %add3A_142, %add3A_221 : i32
        %dma_start3A_223 = arith.constant 0 : i32
        %dma_start3A_224 = arith.constant 0 : i32
        %dma_start3A_225 = tpu.memref_slice %arg4[%arg1, %add3A_222, %dma_start3A_224] : memref<16x250x80xi32, #tpu.memory_space<hbm>> -> memref<1x1x80xi32, #tpu.memory_space<hbm>>
        %dma_start3A_226 = tpu.memref_squeeze %dma_start3A_225 : memref<1x1x80xi32, #tpu.memory_space<hbm>> -> memref<80xi32, #tpu.memory_space<hbm>>
        %dma_start3A_227 = tpu.memref_slice %arg21[%dma_start3A_223] : memref<2x!tpu.dma_semaphore, #tpu.memory_space<semaphore_mem>> -> memref<1x!tpu.dma_semaphore, #tpu.memory_space<semaphore_mem>>
        %dma_start3A_228 = tpu.memref_squeeze %dma_start3A_227 : memref<1x!tpu.dma_semaphore, #tpu.memory_space<semaphore_mem>> -> memref<!tpu.dma_semaphore, #tpu.memory_space<semaphore_mem>>
        %dma_start3A_229 = arith.constant 0 : i32
        %dma_start3A_230 = tpu.memref_slice %arg4[%arg1, %add3A_222, %dma_start3A_229] : memref<16x250x80xi32, #tpu.memory_space<hbm>> -> memref<1x1x80xi32, #tpu.memory_space<hbm>>
        %dma_start3A_231 = tpu.memref_squeeze %dma_start3A_230 : memref<1x1x80xi32, #tpu.memory_space<hbm>> -> memref<80xi32, #tpu.memory_space<hbm>>
        tpu.enqueue_dma source(%dma_start3A_231 : memref<80xi32, #tpu.memory_space<hbm>>) target(%arg11 : memref<80xi32, #tpu.memory_space<vmem>>) target_semaphore(%dma_start3A_228 : memref<!tpu.dma_semaphore, #tpu.memory_space<semaphore_mem>>)
        %dma_start3A_232 = arith.constant 0 : i32
        %dma_start3A_233 = arith.constant 0 : i32
        %dma_start3A_234 = tpu.memref_slice %arg5[%arg1, %add3A_222, %dma_start3A_233] : memref<16x250x80xi32, #tpu.memory_space<hbm>> -> memref<1x1x80xi32, #tpu.memory_space<hbm>>
        %dma_start3A_235 = tpu.memref_squeeze %dma_start3A_234 : memref<1x1x80xi32, #tpu.memory_space<hbm>> -> memref<80xi32, #tpu.memory_space<hbm>>
        %dma_start3A_236 = tpu.memref_slice %arg21[%dma_start3A_232] : memref<2x!tpu.dma_semaphore, #tpu.memory_space<semaphore_mem>> -> memref<1x!tpu.dma_semaphore, #tpu.memory_space<semaphore_mem>>
        %dma_start3A_237 = tpu.memref_squeeze %dma_start3A_236 : memref<1x!tpu.dma_semaphore, #tpu.memory_space<semaphore_mem>> -> memref<!tpu.dma_semaphore, #tpu.memory_space<semaphore_mem>>
        %dma_start3A_238 = arith.constant 0 : i32
        %dma_start3A_239 = tpu.memref_slice %arg5[%arg1, %add3A_222, %dma_start3A_238] : memref<16x250x80xi32, #tpu.memory_space<hbm>> -> memref<1x1x80xi32, #tpu.memory_space<hbm>>
        %dma_start3A_240 = tpu.memref_squeeze %dma_start3A_239 : memref<1x1x80xi32, #tpu.memory_space<hbm>> -> memref<80xi32, #tpu.memory_space<hbm>>
        tpu.enqueue_dma source(%dma_start3A_240 : memref<80xi32, #tpu.memory_space<hbm>>) target(%arg13 : memref<80xi32, #tpu.memory_space<vmem>>) target_semaphore(%dma_start3A_237 : memref<!tpu.dma_semaphore, #tpu.memory_space<semaphore_mem>>)
      } else {
      }
      %scan3A_197 = arith.constant 0 : i32
      %scan3A_198 = arith.constant 0 : i32
      %scan3A_199 = arith.constant 80 : i32
      %scan3A_200 = arith.addi %scan3A_198, %scan3A_199 : i32
      %scan3A_201 = arith.constant 2 : i32
      scf.for %scan3A_221 = %scan3A_198 to %scan3A_200 step %scan3A_201  : i32 {
        %get3A_222 = arith.index_cast %scan3A_221 : i32 to index
        %get3A_223 = arith.constant 0 : index
        %get3A_224 = tpu.vector_load %arg18[%get3A_222, %get3A_223] {strides = array<i32>} : memref<80x16xf32, #tpu.memory_space<vmem>>, vector<1x16xf32>,
        %get3A_225 = vector.shape_cast %get3A_224 : vector<1x16xf32> to vector<16xf32>
        %get3A_226 = arith.index_cast %scan3A_221 : i32 to index
        %get3A_227 = arith.constant 64 : index
        %get3A_228 = tpu.vector_load %arg20[%get3A_226, %get3A_227] {strides = array<i32>} : memref<80x80xf32, #tpu.memory_space<vmem>>, vector<1x16xf32>,
        %get3A_229 = vector.shape_cast %get3A_228 : vector<1x16xf32> to vector<16xf32>
        %add3A_230 = arith.addf %get3A_225, %get3A_229 : vector<16xf32>
        %mul3A_231 = arith.constant 2.000000e-01 : f32
        %mul3A_232 = vector.broadcast %mul3A_231 : f32 to vector<16xf32>
        %mul3A_233 = arith.mulf %add3A_230, %mul3A_232 : vector<16xf32>
        %max3A = arith.maximumf %mul3A_233, %add3A_230 : vector<16xf32>
        %exp3A = math.exp %max3A : vector<16xf32>
        %broadcast_in_dim3A = arith.constant 0 : i32
        %broadcast_in_dim3A_234 = vector.broadcast %broadcast_in_dim3A : i32 to vector<16x1xi32>
        %gather3A = vector.shape_cast %broadcast_in_dim3A_234 : vector<16x1xi32> to vector<16xi32>
        %gather3A_235 = tpu.dynamic_gather %exp3A[%gather3A] in [0] : vector<16xf32>, vector<16xi32> -> vector<16xf32>
        %get3A_236 = arith.index_cast %scan3A_221 : i32 to index
        %get3A_237 = arith.constant 0 : index
        %get3A_238 = tpu.vector_load %arg20[%get3A_236, %get3A_237] {strides = array<i32>} : memref<80x80xf32, #tpu.memory_space<vmem>>, vector<1x16xf32>,
        %get3A_239 = vector.shape_cast %get3A_238 : vector<1x16xf32> to vector<16xf32>
        %mul3A_240 = arith.mulf %get3A_239, %gather3A_235 : vector<16xf32>
        %swap3A_241 = arith.index_cast %scan3A_221 : i32 to index
        %swap3A_242 = arith.constant 0 : index
        %swap3A_243 = tpu.vector_load %arg20[%swap3A_241, %swap3A_242] {strides = array<i32>} : memref<80x80xf32, #tpu.memory_space<vmem>>, vector<1x16xf32>,
        %swap3A_244 = vector.shape_cast %swap3A_243 : vector<1x16xf32> to vector<16xf32>
        %swap3A_245 = vector.shape_cast %mul3A_240 : vector<16xf32> to vector<1x16xf32>
        tpu.vector_store %arg20[%swap3A_241, %swap3A_242], %swap3A_245 {strides = array<i32>} : memref<80x80xf32, #tpu.memory_space<vmem>>, vector<1x16xf32>,
        %broadcast_in_dim3A_246 = arith.constant 1 : i32
        %broadcast_in_dim3A_247 = vector.broadcast %broadcast_in_dim3A_246 : i32 to vector<16x1xi32>
        %gather3A_248 = vector.shape_cast %broadcast_in_dim3A_247 : vector<16x1xi32> to vector<16xi32>
        %gather3A_249 = tpu.dynamic_gather %exp3A[%gather3A_248] in [0] : vector<16xf32>, vector<16xi32> -> vector<16xf32>
        %get3A_250 = arith.index_cast %scan3A_221 : i32 to index
        %get3A_251 = arith.constant 16 : index
        %get3A_252 = tpu.vector_load %arg20[%get3A_250, %get3A_251] {strides = array<i32>} : memref<80x80xf32, #tpu.memory_space<vmem>>, vector<1x16xf32>,
        %get3A_253 = vector.shape_cast %get3A_252 : vector<1x16xf32> to vector<16xf32>
        %mul3A_254 = arith.mulf %get3A_253, %gather3A_249 : vector<16xf32>
        %swap3A_255 = arith.index_cast %scan3A_221 : i32 to index
        %swap3A_256 = arith.constant 16 : index
        %swap3A_257 = tpu.vector_load %arg20[%swap3A_255, %swap3A_256] {strides = array<i32>} : memref<80x80xf32, #tpu.memory_space<vmem>>, vector<1x16xf32>,
        %swap3A_258 = vector.shape_cast %swap3A_257 : vector<1x16xf32> to vector<16xf32>
        %swap3A_259 = vector.shape_cast %mul3A_254 : vector<16xf32> to vector<1x16xf32>
        tpu.vector_store %arg20[%swap3A_255, %swap3A_256], %swap3A_259 {strides = array<i32>} : memref<80x80xf32, #tpu.memory_space<vmem>>, vector<1x16xf32>,
        %broadcast_in_dim3A_260 = arith.constant 2 : i32
        %broadcast_in_dim3A_261 = vector.broadcast %broadcast_in_dim3A_260 : i32 to vector<16x1xi32>
        %gather3A_262 = vector.shape_cast %broadcast_in_dim3A_261 : vector<16x1xi32> to vector<16xi32>
        %gather3A_263 = tpu.dynamic_gather %exp3A[%gather3A_262] in [0] : vector<16xf32>, vector<16xi32> -> vector<16xf32>
        %get3A_264 = arith.index_cast %scan3A_221 : i32 to index
        %get3A_265 = arith.constant 32 : index
        %get3A_266 = tpu.vector_load %arg20[%get3A_264, %get3A_265] {strides = array<i32>} : memref<80x80xf32, #tpu.memory_space<vmem>>, vector<1x16xf32>,
        %get3A_267 = vector.shape_cast %get3A_266 : vector<1x16xf32> to vector<16xf32>
        %mul3A_268 = arith.mulf %get3A_267, %gather3A_263 : vector<16xf32>
        %swap3A_269 = arith.index_cast %scan3A_221 : i32 to index
        %swap3A_270 = arith.constant 32 : index
        %swap3A_271 = tpu.vector_load %arg20[%swap3A_269, %swap3A_270] {strides = array<i32>} : memref<80x80xf32, #tpu.memory_space<vmem>>, vector<1x16xf32>,
        %swap3A_272 = vector.shape_cast %swap3A_271 : vector<1x16xf32> to vector<16xf32>
        %swap3A_273 = vector.shape_cast %mul3A_268 : vector<16xf32> to vector<1x16xf32>
        tpu.vector_store %arg20[%swap3A_269, %swap3A_270], %swap3A_273 {strides = array<i32>} : memref<80x80xf32, #tpu.memory_space<vmem>>, vector<1x16xf32>,
        %broadcast_in_dim3A_274 = arith.constant 3 : i32
        %broadcast_in_dim3A_275 = vector.broadcast %broadcast_in_dim3A_274 : i32 to vector<16x1xi32>
        %gather3A_276 = vector.shape_cast %broadcast_in_dim3A_275 : vector<16x1xi32> to vector<16xi32>
        %gather3A_277 = tpu.dynamic_gather %exp3A[%gather3A_276] in [0] : vector<16xf32>, vector<16xi32> -> vector<16xf32>
        %get3A_278 = arith.index_cast %scan3A_221 : i32 to index
        %get3A_279 = arith.constant 48 : index
        %get3A_280 = tpu.vector_load %arg20[%get3A_278, %get3A_279] {strides = array<i32>} : memref<80x80xf32, #tpu.memory_space<vmem>>, vector<1x16xf32>,
        %get3A_281 = vector.shape_cast %get3A_280 : vector<1x16xf32> to vector<16xf32>
        %mul3A_282 = arith.mulf %get3A_281, %gather3A_277 : vector<16xf32>
        %swap3A_283 = arith.index_cast %scan3A_221 : i32 to index
        %swap3A_284 = arith.constant 48 : index
        %swap3A_285 = tpu.vector_load %arg20[%swap3A_283, %swap3A_284] {strides = array<i32>} : memref<80x80xf32, #tpu.memory_space<vmem>>, vector<1x16xf32>,
        %swap3A_286 = vector.shape_cast %swap3A_285 : vector<1x16xf32> to vector<16xf32>
        %swap3A_287 = vector.shape_cast %mul3A_282 : vector<16xf32> to vector<1x16xf32>
        tpu.vector_store %arg20[%swap3A_283, %swap3A_284], %swap3A_287 {strides = array<i32>} : memref<80x80xf32, #tpu.memory_space<vmem>>, vector<1x16xf32>,
        %swap3A_288 = arith.index_cast %scan3A_221 : i32 to index
        %swap3A_289 = arith.constant 64 : index
        %swap3A_290 = tpu.vector_load %arg20[%swap3A_288, %swap3A_289] {strides = array<i32>} : memref<80x80xf32, #tpu.memory_space<vmem>>, vector<1x16xf32>,
        %swap3A_291 = vector.shape_cast %swap3A_290 : vector<1x16xf32> to vector<16xf32>
        %swap3A_292 = vector.shape_cast %exp3A : vector<16xf32> to vector<1x16xf32>
        tpu.vector_store %arg20[%swap3A_288, %swap3A_289], %swap3A_292 {strides = array<i32>} : memref<80x80xf32, #tpu.memory_space<vmem>>, vector<1x16xf32>,
        %scan3A_293 = arith.constant 1 : i32
        %scan3A_294 = arith.addi %scan3A_221, %scan3A_293 : i32
        %get3A_295 = arith.index_cast %scan3A_294 : i32 to index
        %get3A_296 = arith.constant 0 : index
        %get3A_297 = tpu.vector_load %arg18[%get3A_295, %get3A_296] {strides = array<i32>} : memref<80x16xf32, #tpu.memory_space<vmem>>, vector<1x16xf32>,
        %get3A_298 = vector.shape_cast %get3A_297 : vector<1x16xf32> to vector<16xf32>
        %get3A_299 = arith.index_cast %scan3A_294 : i32 to index
        %get3A_300 = arith.constant 64 : index
        %get3A_301 = tpu.vector_load %arg20[%get3A_299, %get3A_300] {strides = array<i32>} : memref<80x80xf32, #tpu.memory_space<vmem>>, vector<1x16xf32>,
        %get3A_302 = vector.shape_cast %get3A_301 : vector<1x16xf32> to vector<16xf32>
        %add3A_303 = arith.addf %get3A_298, %get3A_302 : vector<16xf32>
        %mul3A_304 = arith.constant 2.000000e-01 : f32
        %mul3A_305 = vector.broadcast %mul3A_304 : f32 to vector<16xf32>
        %mul3A_306 = arith.mulf %add3A_303, %mul3A_305 : vector<16xf32>
        %max3A_307 = arith.maximumf %mul3A_306, %add3A_303 : vector<16xf32>
        %exp3A_308 = math.exp %max3A_307 : vector<16xf32>
        %broadcast_in_dim3A_309 = arith.constant 0 : i32
        %broadcast_in_dim3A_310 = vector.broadcast %broadcast_in_dim3A_309 : i32 to vector<16x1xi32>
        %gather3A_311 = vector.shape_cast %broadcast_in_dim3A_310 : vector<16x1xi32> to vector<16xi32>
        %gather3A_312 = tpu.dynamic_gather %exp3A_308[%gather3A_311] in [0] : vector<16xf32>, vector<16xi32> -> vector<16xf32>
        %get3A_313 = arith.index_cast %scan3A_294 : i32 to index
        %get3A_314 = arith.constant 0 : index
        %get3A_315 = tpu.vector_load %arg20[%get3A_313, %get3A_314] {strides = array<i32>} : memref<80x80xf32, #tpu.memory_space<vmem>>, vector<1x16xf32>,
        %get3A_316 = vector.shape_cast %get3A_315 : vector<1x16xf32> to vector<16xf32>
        %mul3A_317 = arith.mulf %get3A_316, %gather3A_312 : vector<16xf32>
        %swap3A_318 = arith.index_cast %scan3A_294 : i32 to index
        %swap3A_319 = arith.constant 0 : index
        %swap3A_320 = tpu.vector_load %arg20[%swap3A_318, %swap3A_319] {strides = array<i32>} : memref<80x80xf32, #tpu.memory_space<vmem>>, vector<1x16xf32>,
        %swap3A_321 = vector.shape_cast %swap3A_320 : vector<1x16xf32> to vector<16xf32>
        %swap3A_322 = vector.shape_cast %mul3A_317 : vector<16xf32> to vector<1x16xf32>
        tpu.vector_store %arg20[%swap3A_318, %swap3A_319], %swap3A_322 {strides = array<i32>} : memref<80x80xf32, #tpu.memory_space<vmem>>, vector<1x16xf32>,
        %broadcast_in_dim3A_323 = arith.constant 1 : i32
        %broadcast_in_dim3A_324 = vector.broadcast %broadcast_in_dim3A_323 : i32 to vector<16x1xi32>
        %gather3A_325 = vector.shape_cast %broadcast_in_dim3A_324 : vector<16x1xi32> to vector<16xi32>
        %gather3A_326 = tpu.dynamic_gather %exp3A_308[%gather3A_325] in [0] : vector<16xf32>, vector<16xi32> -> vector<16xf32>
        %get3A_327 = arith.index_cast %scan3A_294 : i32 to index
        %get3A_328 = arith.constant 16 : index
        %get3A_329 = tpu.vector_load %arg20[%get3A_327, %get3A_328] {strides = array<i32>} : memref<80x80xf32, #tpu.memory_space<vmem>>, vector<1x16xf32>,
        %get3A_330 = vector.shape_cast %get3A_329 : vector<1x16xf32> to vector<16xf32>
        %mul3A_331 = arith.mulf %get3A_330, %gather3A_326 : vector<16xf32>
        %swap3A_332 = arith.index_cast %scan3A_294 : i32 to index
        %swap3A_333 = arith.constant 16 : index
        %swap3A_334 = tpu.vector_load %arg20[%swap3A_332, %swap3A_333] {strides = array<i32>} : memref<80x80xf32, #tpu.memory_space<vmem>>, vector<1x16xf32>,
        %swap3A_335 = vector.shape_cast %swap3A_334 : vector<1x16xf32> to vector<16xf32>
        %swap3A_336 = vector.shape_cast %mul3A_331 : vector<16xf32> to vector<1x16xf32>
        tpu.vector_store %arg20[%swap3A_332, %swap3A_333], %swap3A_336 {strides = array<i32>} : memref<80x80xf32, #tpu.memory_space<vmem>>, vector<1x16xf32>,
        %broadcast_in_dim3A_337 = arith.constant 2 : i32
        %broadcast_in_dim3A_338 = vector.broadcast %broadcast_in_dim3A_337 : i32 to vector<16x1xi32>
        %gather3A_339 = vector.shape_cast %broadcast_in_dim3A_338 : vector<16x1xi32> to vector<16xi32>
        %gather3A_340 = tpu.dynamic_gather %exp3A_308[%gather3A_339] in [0] : vector<16xf32>, vector<16xi32> -> vector<16xf32>
        %get3A_341 = arith.index_cast %scan3A_294 : i32 to index
        %get3A_342 = arith.constant 32 : index
        %get3A_343 = tpu.vector_load %arg20[%get3A_341, %get3A_342] {strides = array<i32>} : memref<80x80xf32, #tpu.memory_space<vmem>>, vector<1x16xf32>,
        %get3A_344 = vector.shape_cast %get3A_343 : vector<1x16xf32> to vector<16xf32>
        %mul3A_345 = arith.mulf %get3A_344, %gather3A_340 : vector<16xf32>
        %swap3A_346 = arith.index_cast %scan3A_294 : i32 to index
        %swap3A_347 = arith.constant 32 : index
        %swap3A_348 = tpu.vector_load %arg20[%swap3A_346, %swap3A_347] {strides = array<i32>} : memref<80x80xf32, #tpu.memory_space<vmem>>, vector<1x16xf32>,
        %swap3A_349 = vector.shape_cast %swap3A_348 : vector<1x16xf32> to vector<16xf32>
        %swap3A_350 = vector.shape_cast %mul3A_345 : vector<16xf32> to vector<1x16xf32>
        tpu.vector_store %arg20[%swap3A_346, %swap3A_347], %swap3A_350 {strides = array<i32>} : memref<80x80xf32, #tpu.memory_space<vmem>>, vector<1x16xf32>,
        %broadcast_in_dim3A_351 = arith.constant 3 : i32
        %broadcast_in_dim3A_352 = vector.broadcast %broadcast_in_dim3A_351 : i32 to vector<16x1xi32>
        %gather3A_353 = vector.shape_cast %broadcast_in_dim3A_352 : vector<16x1xi32> to vector<16xi32>
        %gather3A_354 = tpu.dynamic_gather %exp3A_308[%gather3A_353] in [0] : vector<16xf32>, vector<16xi32> -> vector<16xf32>
        %get3A_355 = arith.index_cast %scan3A_294 : i32 to index
        %get3A_356 = arith.constant 48 : index
        %get3A_357 = tpu.vector_load %arg20[%get3A_355, %get3A_356] {strides = array<i32>} : memref<80x80xf32, #tpu.memory_space<vmem>>, vector<1x16xf32>,
        %get3A_358 = vector.shape_cast %get3A_357 : vector<1x16xf32> to vector<16xf32>
        %mul3A_359 = arith.mulf %get3A_358, %gather3A_354 : vector<16xf32>
        %swap3A_360 = arith.index_cast %scan3A_294 : i32 to index
        %swap3A_361 = arith.constant 48 : index
        %swap3A_362 = tpu.vector_load %arg20[%swap3A_360, %swap3A_361] {strides = array<i32>} : memref<80x80xf32, #tpu.memory_space<vmem>>, vector<1x16xf32>,
        %swap3A_363 = vector.shape_cast %swap3A_362 : vector<1x16xf32> to vector<16xf32>
        %swap3A_364 = vector.shape_cast %mul3A_359 : vector<16xf32> to vector<1x16xf32>
        tpu.vector_store %arg20[%swap3A_360, %swap3A_361], %swap3A_364 {strides = array<i32>} : memref<80x80xf32, #tpu.memory_space<vmem>>, vector<1x16xf32>,
        %swap3A_365 = arith.index_cast %scan3A_294 : i32 to index
        %swap3A_366 = arith.constant 64 : index
        %swap3A_367 = tpu.vector_load %arg20[%swap3A_365, %swap3A_366] {strides = array<i32>} : memref<80x80xf32, #tpu.memory_space<vmem>>, vector<1x16xf32>,
        %swap3A_368 = vector.shape_cast %swap3A_367 : vector<1x16xf32> to vector<16xf32>
        %swap3A_369 = vector.shape_cast %exp3A_308 : vector<16xf32> to vector<1x16xf32>
        tpu.vector_store %arg20[%swap3A_365, %swap3A_366], %swap3A_369 {strides = array<i32>} : memref<80x80xf32, #tpu.memory_space<vmem>>, vector<1x16xf32>,
      }
      %scan3A_202 = arith.constant 80 : i32
      %dma_start3A_203 = arith.constant 1 : i32
      %dma_start3A_204 = arith.constant 0 : i32
      %dma_start3A_205 = arith.constant 0 : i32
      %dma_start3A_206 = tpu.memref_slice %arg8[%dma_start3A_204, %dma_start3A_205] : memref<10240x80xf32, #tpu.memory_space<vmem_shared>> -> memref<10240x80xf32, #tpu.memory_space<vmem_shared>>
      %dma_start3A_207 = tpu.memref_slice %arg23[%dma_start3A_203] : memref<2x!tpu.dma_semaphore, #tpu.memory_space<semaphore_mem>> -> memref<1x!tpu.dma_semaphore, #tpu.memory_space<semaphore_mem>>
      %dma_start3A_208 = tpu.memref_squeeze %dma_start3A_207 : memref<1x!tpu.dma_semaphore, #tpu.memory_space<semaphore_mem>> -> memref<!tpu.dma_semaphore, #tpu.memory_space<semaphore_mem>>
      tpu.enqueue_indirect_dma source(%arg20 : memref<80x80xf32, #tpu.memory_space<vmem>>) target(%dma_start3A_206 : memref<10240x80xf32, #tpu.memory_space<vmem_shared>>) offsets(%arg16 : memref<80xi32, #tpu.memory_space<vmem>>) semaphore(%dma_start3A_208 : memref<!tpu.dma_semaphore, #tpu.memory_space<semaphore_mem>>) {add = true}
      %ge3A_209 = arith.constant 1 : i32
      %ge3A_210 = arith.cmpi sge, %add3A_142, %ge3A_209 : i32
      %convert_element_type3A_211 = arith.extui %ge3A_210 : i1 to i32
      %cond3A_212 = arith.constant 0 : i32
      %cond3A_213 = arith.cmpi ne, %convert_element_type3A_211, %cond3A_212 : i32
      scf.if %cond3A_213 {
        %dma_wait3A_221 = arith.constant 0 : i32
        %dma_wait3A_222 = arith.constant 0 : i32
        %dma_wait3A_223 = arith.constant 0 : i32
        %dma_wait3A_224 = tpu.memref_slice %arg8[%dma_wait3A_222, %dma_wait3A_223] : memref<10240x80xf32, #tpu.memory_space<vmem_shared>> -> memref<10240x80xf32, #tpu.memory_space<vmem_shared>>
        %dma_wait3A_225 = tpu.memref_slice %arg23[%dma_wait3A_221] : memref<2x!tpu.dma_semaphore, #tpu.memory_space<semaphore_mem>> -> memref<1x!tpu.dma_semaphore, #tpu.memory_space<semaphore_mem>>
        %dma_wait3A_226 = tpu.memref_squeeze %dma_wait3A_225 : memref<1x!tpu.dma_semaphore, #tpu.memory_space<semaphore_mem>> -> memref<!tpu.dma_semaphore, #tpu.memory_space<semaphore_mem>>
        tpu.wait_indirect_dma semaphore(%dma_wait3A_226 : memref<!tpu.dma_semaphore, #tpu.memory_space<semaphore_mem>>) src(%arg19 : memref<80x80xf32, #tpu.memory_space<vmem>>) dst(%dma_wait3A_224 : memref<10240x80xf32, #tpu.memory_space<vmem_shared>>)
      } else {
      }
      %add3A_214 = arith.constant 1 : i32
      %add3A_215 = arith.addi %add3A_142, %add3A_214 : i32
      %lt3A_216 = arith.constant 250 : i32
      %lt3A_217 = arith.cmpi slt, %add3A_215, %lt3A_216 : i32
      %convert_element_type3A_218 = arith.extui %lt3A_217 : i1 to i32
      %cond3A_219 = arith.constant 0 : i32
      %cond3A_220 = arith.cmpi ne, %convert_element_type3A_218, %cond3A_219 : i32
      scf.if %cond3A_220 {
        %add3A_221 = arith.constant 1 : i32
        %add3A_222 = arith.addi %add3A_142, %add3A_221 : i32
        %dma_wait3A_223 = arith.constant 0 : i32
        %dma_wait3A_224 = arith.constant 0 : i32
        %dma_wait3A_225 = tpu.memref_slice %arg4[%arg1, %add3A_222, %dma_wait3A_224] : memref<16x250x80xi32, #tpu.memory_space<hbm>> -> memref<1x1x80xi32, #tpu.memory_space<hbm>>
        %dma_wait3A_226 = tpu.memref_squeeze %dma_wait3A_225 : memref<1x1x80xi32, #tpu.memory_space<hbm>> -> memref<80xi32, #tpu.memory_space<hbm>>
        %dma_wait3A_227 = tpu.memref_slice %arg21[%dma_wait3A_223] : memref<2x!tpu.dma_semaphore, #tpu.memory_space<semaphore_mem>> -> memref<1x!tpu.dma_semaphore, #tpu.memory_space<semaphore_mem>>
        %dma_wait3A_228 = tpu.memref_squeeze %dma_wait3A_227 : memref<1x!tpu.dma_semaphore, #tpu.memory_space<semaphore_mem>> -> memref<!tpu.dma_semaphore, #tpu.memory_space<semaphore_mem>>
        %dma_wait3A_229 = arith.constant 0 : i32
        %dma_wait3A_230 = tpu.memref_slice %arg4[%arg1, %add3A_222, %dma_wait3A_229] : memref<16x250x80xi32, #tpu.memory_space<hbm>> -> memref<1x1x80xi32, #tpu.memory_space<hbm>>
        %dma_wait3A_231 = tpu.memref_squeeze %dma_wait3A_230 : memref<1x1x80xi32, #tpu.memory_space<hbm>> -> memref<80xi32, #tpu.memory_space<hbm>>
        tpu.wait_dma2 semaphore(%dma_wait3A_228 : memref<!tpu.dma_semaphore, #tpu.memory_space<semaphore_mem>>) src(%dma_wait3A_231 : memref<80xi32, #tpu.memory_space<hbm>>) dst(%arg11 : memref<80xi32, #tpu.memory_space<vmem>>)
        %dma_wait3A_232 = arith.constant 0 : i32
        %dma_wait3A_233 = arith.constant 0 : i32
        %dma_wait3A_234 = tpu.memref_slice %arg5[%arg1, %add3A_222, %dma_wait3A_233] : memref<16x250x80xi32, #tpu.memory_space<hbm>> -> memref<1x1x80xi32, #tpu.memory_space<hbm>>
        %dma_wait3A_235 = tpu.memref_squeeze %dma_wait3A_234 : memref<1x1x80xi32, #tpu.memory_space<hbm>> -> memref<80xi32, #tpu.memory_space<hbm>>
        %dma_wait3A_236 = tpu.memref_slice %arg21[%dma_wait3A_232] : memref<2x!tpu.dma_semaphore, #tpu.memory_space<semaphore_mem>> -> memref<1x!tpu.dma_semaphore, #tpu.memory_space<semaphore_mem>>
        %dma_wait3A_237 = tpu.memref_squeeze %dma_wait3A_236 : memref<1x!tpu.dma_semaphore, #tpu.memory_space<semaphore_mem>> -> memref<!tpu.dma_semaphore, #tpu.memory_space<semaphore_mem>>
        %dma_wait3A_238 = arith.constant 0 : i32
        %dma_wait3A_239 = tpu.memref_slice %arg5[%arg1, %add3A_222, %dma_wait3A_238] : memref<16x250x80xi32, #tpu.memory_space<hbm>> -> memref<1x1x80xi32, #tpu.memory_space<hbm>>
        %dma_wait3A_240 = tpu.memref_squeeze %dma_wait3A_239 : memref<1x1x80xi32, #tpu.memory_space<hbm>> -> memref<80xi32, #tpu.memory_space<hbm>>
        tpu.wait_dma2 semaphore(%dma_wait3A_237 : memref<!tpu.dma_semaphore, #tpu.memory_space<semaphore_mem>>) src(%dma_wait3A_240 : memref<80xi32, #tpu.memory_space<hbm>>) dst(%arg13 : memref<80xi32, #tpu.memory_space<vmem>>)
        %dma_start3A_241 = arith.constant 0 : i32
        %dma_start3A_242 = arith.constant 0 : i32
        %dma_start3A_243 = arith.constant 0 : i32
        %dma_start3A_244 = tpu.memref_slice %arg10[%dma_start3A_242, %dma_start3A_243] : memref<10240x16xf32, #tpu.memory_space<vmem_shared>> -> memref<10240x16xf32, #tpu.memory_space<vmem_shared>>
        %dma_start3A_245 = tpu.memref_slice %arg22[%dma_start3A_241] : memref<2x!tpu.dma_semaphore, #tpu.memory_space<semaphore_mem>> -> memref<1x!tpu.dma_semaphore, #tpu.memory_space<semaphore_mem>>
        %dma_start3A_246 = tpu.memref_squeeze %dma_start3A_245 : memref<1x!tpu.dma_semaphore, #tpu.memory_space<semaphore_mem>> -> memref<!tpu.dma_semaphore, #tpu.memory_space<semaphore_mem>>
        tpu.enqueue_indirect_dma source(%dma_start3A_244 : memref<10240x16xf32, #tpu.memory_space<vmem_shared>>) target(%arg17 : memref<80x16xf32, #tpu.memory_space<vmem>>) offsets(%arg11 : memref<80xi32, #tpu.memory_space<vmem>>) semaphore(%dma_start3A_246 : memref<!tpu.dma_semaphore, #tpu.memory_space<semaphore_mem>>)
        %dma_start3A_247 = arith.constant 0 : i32
        %dma_start3A_248 = arith.constant 0 : i32
        %dma_start3A_249 = arith.constant 0 : i32
        %dma_start3A_250 = tpu.memref_slice %arg9[%dma_start3A_248, %dma_start3A_249] : memref<10240x80xf32, #tpu.memory_space<vmem_shared>> -> memref<10240x80xf32, #tpu.memory_space<vmem_shared>>
        %dma_start3A_251 = tpu.memref_slice %arg22[%dma_start3A_247] : memref<2x!tpu.dma_semaphore, #tpu.memory_space<semaphore_mem>> -> memref<1x!tpu.dma_semaphore, #tpu.memory_space<semaphore_mem>>
        %dma_start3A_252 = tpu.memref_squeeze %dma_start3A_251 : memref<1x!tpu.dma_semaphore, #tpu.memory_space<semaphore_mem>> -> memref<!tpu.dma_semaphore, #tpu.memory_space<semaphore_mem>>
        tpu.enqueue_indirect_dma source(%dma_start3A_250 : memref<10240x80xf32, #tpu.memory_space<vmem_shared>>) target(%arg19 : memref<80x80xf32, #tpu.memory_space<vmem>>) offsets(%arg13 : memref<80xi32, #tpu.memory_space<vmem>>) semaphore(%dma_start3A_252 : memref<!tpu.dma_semaphore, #tpu.memory_space<semaphore_mem>>)
      } else {
      }
    }
    %scan3A_55 = arith.constant 125 : i32
    %dma_wait3A_56 = arith.constant 1 : i32
    %dma_wait3A_57 = arith.constant 0 : i32
    %dma_wait3A_58 = arith.constant 0 : i32
    %dma_wait3A_59 = tpu.memref_slice %arg8[%dma_wait3A_57, %dma_wait3A_58] : memref<10240x80xf32, #tpu.memory_space<vmem_shared>> -> memref<10240x80xf32, #tpu.memory_space<vmem_shared>>
    %dma_wait3A_60 = tpu.memref_slice %arg23[%dma_wait3A_56] : memref<2x!tpu.dma_semaphore, #tpu.memory_space<semaphore_mem>> -> memref<1x!tpu.dma_semaphore, #tpu.memory_space<semaphore_mem>>
    %dma_wait3A_61 = tpu.memref_squeeze %dma_wait3A_60 : memref<1x!tpu.dma_semaphore, #tpu.memory_space<semaphore_mem>> -> memref<!tpu.dma_semaphore, #tpu.memory_space<semaphore_mem>>
    tpu.wait_indirect_dma semaphore(%dma_wait3A_61 : memref<!tpu.dma_semaphore, #tpu.memory_space<semaphore_mem>>) src(%arg20 : memref<80x80xf32, #tpu.memory_space<vmem>>) dst(%dma_wait3A_59 : memref<10240x80xf32, #tpu.memory_space<vmem_shared>>)
    %barrier3A_62 = arith.constant 0 : index
    tpu.barrier barrier_id(%barrier3A_62)
    "tpu.region"() ({
      %run_scoped3A = tpu.sem_alloc : memref<!tpu.dma_semaphore, #tpu.memory_space<semaphore_mem>>
      %dma_start3A_63 = arith.constant 0 : i32
      %dma_start3A_64 = tpu.memref_slice %arg7[%arg0, %mul3A_0, %dma_start3A_63] : memref<2x10240x80xf32, #tpu.memory_space<hbm>> -> memref<1x640x80xf32, #tpu.memory_space<hbm>>
      %dma_start3A_65 = tpu.memref_squeeze %dma_start3A_64 : memref<1x640x80xf32, #tpu.memory_space<hbm>> -> memref<640x80xf32, #tpu.memory_space<hbm>>
      %dma_start3A_66 = arith.constant 0 : i32
      %dma_start3A_67 = tpu.memref_slice %arg8[%mul3A_0, %dma_start3A_66] : memref<10240x80xf32, #tpu.memory_space<vmem_shared>> -> memref<640x80xf32, #tpu.memory_space<vmem_shared>>
      tpu.enqueue_dma source(%dma_start3A_67 : memref<640x80xf32, #tpu.memory_space<vmem_shared>>) target(%dma_start3A_65 : memref<640x80xf32, #tpu.memory_space<hbm>>) target_semaphore(%run_scoped3A : memref<!tpu.dma_semaphore, #tpu.memory_space<semaphore_mem>>)
      %dma_wait3A_68 = arith.constant 0 : i32
      %dma_wait3A_69 = tpu.memref_slice %arg7[%arg0, %mul3A_0, %dma_wait3A_68] : memref<2x10240x80xf32, #tpu.memory_space<hbm>> -> memref<1x640x80xf32, #tpu.memory_space<hbm>>
      %dma_wait3A_70 = tpu.memref_squeeze %dma_wait3A_69 : memref<1x640x80xf32, #tpu.memory_space<hbm>> -> memref<640x80xf32, #tpu.memory_space<hbm>>
      %dma_wait3A_71 = arith.constant 0 : i32
      %dma_wait3A_72 = tpu.memref_slice %arg8[%mul3A_0, %dma_wait3A_71] : memref<10240x80xf32, #tpu.memory_space<vmem_shared>> -> memref<640x80xf32, #tpu.memory_space<vmem_shared>>
      tpu.wait_dma2 semaphore(%run_scoped3A : memref<!tpu.dma_semaphore, #tpu.memory_space<semaphore_mem>>) src(%dma_wait3A_72 : memref<640x80xf32, #tpu.memory_space<vmem_shared>>) dst(%dma_wait3A_70 : memref<640x80xf32, #tpu.memory_space<hbm>>)
      tpu.yield
    }) : () -> ()
    return
  }
}

module attributes {stable_mosaic.version = 14 : i64} {
  func.func @_prep_body(%arg0: i32, %arg1: memref<1024x128xf32, #tpu.memory_space<vmem>>, %arg2: memref<128x128xf32, #tpu.memory_space<vmem>>, %arg3: memref<128x8xf32, #tpu.memory_space<vmem>>, %arg4: memref<1x8xf32, #tpu.memory_space<vmem>>, %arg5: memref<128x8xf32, #tpu.memory_space<vmem>>, %arg6: memref<1x8xf32, #tpu.memory_space<vmem>>, %arg7: memref<2x1024x80xf32, #tpu.memory_space<vmem>>, %arg8: memref<2x1024x16xf32, #tpu.memory_space<vmem>>) attributes {dimension_semantics = [#tpu.dimension_semantics<arbitrary>], iteration_bounds = array<i64: 10>, scalar_prefetch = 0 : i64, scratch_operands = 0 : i64, tpu.core_type = #tpu.core_type<tc>, window_params = [{transform_indices = @transform_0, window_bounds = array<i64: 1024, 128>}, {pipeline_mode = #tpu.pipeline_mode<synchronous>, transform_indices = @transform_1, window_bounds = array<i64: 128, 128>}, {pipeline_mode = #tpu.pipeline_mode<synchronous>, transform_indices = @transform_2, window_bounds = array<i64: 128, 8>}, {pipeline_mode = #tpu.pipeline_mode<synchronous>, transform_indices = @transform_3, window_bounds = array<i64: 1, 8>}, {pipeline_mode = #tpu.pipeline_mode<synchronous>, transform_indices = @transform_4, window_bounds = array<i64: 128, 8>}, {pipeline_mode = #tpu.pipeline_mode<synchronous>, transform_indices = @transform_5, window_bounds = array<i64: 1, 8>}, {transform_indices = @transform_6, window_bounds = array<i64: 2, 1024, 80>}, {transform_indices = @transform_7, window_bounds = array<i64: 2, 1024, 16>}]} {
    %get3A = arith.constant 0 : index
    %get3A_0 = arith.constant 0 : index
    %get3A_1 = vector.load %arg1[%get3A, %get3A_0] : memref<1024x128xf32, #tpu.memory_space<vmem>>, vector<1024x128xf32>
    %get3A_2 = arith.constant 0 : index
    %get3A_3 = arith.constant 0 : index
    %get3A_4 = vector.load %arg2[%get3A_2, %get3A_3] : memref<128x128xf32, #tpu.memory_space<vmem>>, vector<128x128xf32>
    %dot_general3A = arith.constant dense<0.000000e+00> : vector<1024x128xf32>
    %dot_general3A_5 = tpu.matmul %get3A_1, %get3A_4, %dot_general3A {dimension_numbers = #tpu.dot_dimension_numbers<[1], [0], [0], [1], [0, 0, 1, 1], [], []>, transpose_lhs_hint = false} : vector<1024x128xf32>, vector<128x128xf32>, vector<1024x128xf32> -> vector<1024x128xf32>
    %get3A_6 = arith.constant 0 : index
    %get3A_7 = arith.constant 0 : index
    %get3A_8 = vector.load %arg3[%get3A_6, %get3A_7] : memref<128x8xf32, #tpu.memory_space<vmem>>, vector<128x8xf32>
    %dot_general3A_9 = arith.constant dense<0.000000e+00> : vector<1024x8xf32>
    %dot_general3A_10 = tpu.matmul %dot_general3A_5, %get3A_8, %dot_general3A_9 {dimension_numbers = #tpu.dot_dimension_numbers<[1], [0], [0], [1], [0, 0, 1, 1], [], []>, transpose_lhs_hint = false} : vector<1024x128xf32>, vector<128x8xf32>, vector<1024x8xf32> -> vector<1024x8xf32>
    %get3A_11 = arith.constant 0 : index
    %get3A_12 = arith.constant 0 : index
    %get3A_13 = vector.load %arg4[%get3A_11, %get3A_12] : memref<1x8xf32, #tpu.memory_space<vmem>>, vector<1x8xf32>
    %add3A = vector.broadcast %get3A_13 : vector<1x8xf32> to vector<1024x8xf32>
    %add3A_14 = arith.addf %dot_general3A_10, %add3A : vector<1024x8xf32>
    %get3A_15 = arith.constant 0 : index
    %get3A_16 = arith.constant 0 : index
    %get3A_17 = vector.load %arg5[%get3A_15, %get3A_16] : memref<128x8xf32, #tpu.memory_space<vmem>>, vector<128x8xf32>
    %dot_general3A_18 = arith.constant dense<0.000000e+00> : vector<1024x8xf32>
    %dot_general3A_19 = tpu.matmul %dot_general3A_5, %get3A_17, %dot_general3A_18 {dimension_numbers = #tpu.dot_dimension_numbers<[1], [0], [0], [1], [0, 0, 1, 1], [], []>, transpose_lhs_hint = false} : vector<1024x128xf32>, vector<128x8xf32>, vector<1024x8xf32> -> vector<1024x8xf32>
    %get3A_20 = arith.constant 0 : index
    %get3A_21 = arith.constant 0 : index
    %get3A_22 = vector.load %arg6[%get3A_20, %get3A_21] : memref<1x8xf32, #tpu.memory_space<vmem>>, vector<1x8xf32>
    %add3A_23 = vector.broadcast %get3A_22 : vector<1x8xf32> to vector<1024x8xf32>
    %add3A_24 = arith.addf %dot_general3A_19, %add3A_23 : vector<1024x8xf32>
    %slice3A = vector.extract_strided_slice %dot_general3A_5 {offsets = [0, 0], sizes = [1024, 64], strides = [1, 1]} : vector<1024x128xf32> to vector<1024x64xf32>
    %slice3A_25 = vector.extract_strided_slice %add3A_24 {offsets = [0, 0], sizes = [1024, 4], strides = [1, 1]} : vector<1024x8xf32> to vector<1024x4xf32>
    %concatenate3A = tpu.concatenate %slice3A, %slice3A_25, %slice3A_25, %slice3A_25, %slice3A_25 in 1 : vector<1024x64xf32>, vector<1024x4xf32>, vector<1024x4xf32>, vector<1024x4xf32>, vector<1024x4xf32> -> vector<1024x80xf32>
    %swap3A = arith.constant 0 : index
    %swap3A_26 = arith.constant 0 : index
    %swap3A_27 = arith.constant 0 : index
    %swap3A_28 = vector.load %arg7[%swap3A, %swap3A_26, %swap3A_27] : memref<2x1024x80xf32, #tpu.memory_space<vmem>>, vector<1x1024x80xf32>
    %swap3A_29 = vector.shape_cast %swap3A_28 : vector<1x1024x80xf32> to vector<1024x80xf32>
    %swap3A_30 = vector.shape_cast %concatenate3A : vector<1024x80xf32> to vector<1x1024x80xf32>
    tpu.vector_store %arg7[%swap3A, %swap3A_26, %swap3A_27], %swap3A_30 {strides = array<i32>} : memref<2x1024x80xf32, #tpu.memory_space<vmem>>, vector<1x1024x80xf32>,
    %slice3A_31 = vector.extract_strided_slice %dot_general3A_5 {offsets = [0, 64], sizes = [1024, 64], strides = [1, 1]} : vector<1024x128xf32> to vector<1024x64xf32>
    %slice3A_32 = vector.extract_strided_slice %add3A_24 {offsets = [0, 4], sizes = [1024, 4], strides = [1, 1]} : vector<1024x8xf32> to vector<1024x4xf32>
    %concatenate3A_33 = tpu.concatenate %slice3A_31, %slice3A_32, %slice3A_32, %slice3A_32, %slice3A_32 in 1 : vector<1024x64xf32>, vector<1024x4xf32>, vector<1024x4xf32>, vector<1024x4xf32>, vector<1024x4xf32> -> vector<1024x80xf32>
    %swap3A_34 = arith.constant 1 : index
    %swap3A_35 = arith.constant 0 : index
    %swap3A_36 = arith.constant 0 : index
    %swap3A_37 = vector.load %arg7[%swap3A_34, %swap3A_35, %swap3A_36] : memref<2x1024x80xf32, #tpu.memory_space<vmem>>, vector<1x1024x80xf32>
    %swap3A_38 = vector.shape_cast %swap3A_37 : vector<1x1024x80xf32> to vector<1024x80xf32>
    %swap3A_39 = vector.shape_cast %concatenate3A_33 : vector<1024x80xf32> to vector<1x1024x80xf32>
    tpu.vector_store %arg7[%swap3A_34, %swap3A_35, %swap3A_36], %swap3A_39 {strides = array<i32>} : memref<2x1024x80xf32, #tpu.memory_space<vmem>>, vector<1x1024x80xf32>,
    %slice3A_40 = vector.extract_strided_slice %add3A_14 {offsets = [0, 0], sizes = [1024, 4], strides = [1, 1]} : vector<1024x8xf32> to vector<1024x4xf32>
    %concatenate3A_41 = tpu.concatenate %slice3A_40, %slice3A_40, %slice3A_40, %slice3A_40 in 1 : vector<1024x4xf32>, vector<1024x4xf32>, vector<1024x4xf32>, vector<1024x4xf32> -> vector<1024x16xf32>
    %swap3A_42 = arith.constant 0 : index
    %swap3A_43 = arith.constant 0 : index
    %swap3A_44 = arith.constant 0 : index
    %swap3A_45 = vector.load %arg8[%swap3A_42, %swap3A_43, %swap3A_44] : memref<2x1024x16xf32, #tpu.memory_space<vmem>>, vector<1x1024x16xf32>
    %swap3A_46 = vector.shape_cast %swap3A_45 : vector<1x1024x16xf32> to vector<1024x16xf32>
    %swap3A_47 = vector.shape_cast %concatenate3A_41 : vector<1024x16xf32> to vector<1x1024x16xf32>
    tpu.vector_store %arg8[%swap3A_42, %swap3A_43, %swap3A_44], %swap3A_47 {strides = array<i32>} : memref<2x1024x16xf32, #tpu.memory_space<vmem>>, vector<1x1024x16xf32>,
    %slice3A_48 = vector.extract_strided_slice %add3A_14 {offsets = [0, 4], sizes = [1024, 4], strides = [1, 1]} : vector<1024x8xf32> to vector<1024x4xf32>
    %concatenate3A_49 = tpu.concatenate %slice3A_48, %slice3A_48, %slice3A_48, %slice3A_48 in 1 : vector<1024x4xf32>, vector<1024x4xf32>, vector<1024x4xf32>, vector<1024x4xf32> -> vector<1024x16xf32>
    %swap3A_50 = arith.constant 1 : index
    %swap3A_51 = arith.constant 0 : index
    %swap3A_52 = arith.constant 0 : index
    %swap3A_53 = vector.load %arg8[%swap3A_50, %swap3A_51, %swap3A_52] : memref<2x1024x16xf32, #tpu.memory_space<vmem>>, vector<1x1024x16xf32>
    %swap3A_54 = vector.shape_cast %swap3A_53 : vector<1x1024x16xf32> to vector<1024x16xf32>
    %swap3A_55 = vector.shape_cast %concatenate3A_49 : vector<1024x16xf32> to vector<1x1024x16xf32>
    tpu.vector_store %arg8[%swap3A_50, %swap3A_51, %swap3A_52], %swap3A_55 {strides = array<i32>} : memref<2x1024x16xf32, #tpu.memory_space<vmem>>, vector<1x1024x16xf32>,
    return
  }
  func.func @transform_0(%arg0: i32) -> (i32, i32) {
    %c0_i32 = arith.constant 0 : i32
    %c0_i32_0 = arith.constant 0 : i32
    return %arg0, %c0_i32 : i32, i32
  }
  func.func @transform_1(%arg0: i32) -> (i32, i32) {
    %c0_i32 = arith.constant 0 : i32
    %c0_i32_0 = arith.constant 0 : i32
    %c0_i32_1 = arith.constant 0 : i32
    return %c0_i32, %c0_i32_0 : i32, i32
  }
  func.func @transform_2(%arg0: i32) -> (i32, i32) {
    %c0_i32 = arith.constant 0 : i32
    %c0_i32_0 = arith.constant 0 : i32
    %c0_i32_1 = arith.constant 0 : i32
    return %c0_i32, %c0_i32_0 : i32, i32
  }
  func.func @transform_3(%arg0: i32) -> (i32, i32) {
    %c0_i32 = arith.constant 0 : i32
    %c0_i32_0 = arith.constant 0 : i32
    %c0_i32_1 = arith.constant 0 : i32
    return %c0_i32, %c0_i32_0 : i32, i32
  }
  func.func @transform_4(%arg0: i32) -> (i32, i32) {
    %c0_i32 = arith.constant 0 : i32
    %c0_i32_0 = arith.constant 0 : i32
    %c0_i32_1 = arith.constant 0 : i32
    return %c0_i32, %c0_i32_0 : i32, i32
  }
  func.func @transform_5(%arg0: i32) -> (i32, i32) {
    %c0_i32 = arith.constant 0 : i32
    %c0_i32_0 = arith.constant 0 : i32
    %c0_i32_1 = arith.constant 0 : i32
    return %c0_i32, %c0_i32_0 : i32, i32
  }
  func.func @transform_6(%arg0: i32) -> (i32, i32, i32) {
    %c0_i32 = arith.constant 0 : i32
    %c0_i32_0 = arith.constant 0 : i32
    %c0_i32_1 = arith.constant 0 : i32
    return %c0_i32, %arg0, %c0_i32_0 : i32, i32, i32
  }
  func.func @transform_7(%arg0: i32) -> (i32, i32, i32) {
    %c0_i32 = arith.constant 0 : i32
    %c0_i32_0 = arith.constant 0 : i32
    %c0_i32_1 = arith.constant 0 : i32
    return %c0_i32, %arg0, %c0_i32_0 : i32, i32, i32
  }
}

module attributes {stable_mosaic.version = 14 : i64} {
  func.func @_fin_body(%arg0: i32, %arg1: memref<2x1024x80xf32, #tpu.memory_space<vmem>>, %arg2: memref<16x128xf32, #tpu.memory_space<vmem>>, %arg3: memref<16x128xf32, #tpu.memory_space<vmem>>, %arg4: memref<1024x128xf32, #tpu.memory_space<vmem>>) attributes {dimension_semantics = [#tpu.dimension_semantics<arbitrary>], iteration_bounds = array<i64: 10>, scalar_prefetch = 0 : i64, scratch_operands = 0 : i64, tpu.core_type = #tpu.core_type<tc>, window_params = [{transform_indices = @transform_0, window_bounds = array<i64: 2, 1024, 80>}, {pipeline_mode = #tpu.pipeline_mode<synchronous>, transform_indices = @transform_1, window_bounds = array<i64: 16, 128>}, {pipeline_mode = #tpu.pipeline_mode<synchronous>, transform_indices = @transform_2, window_bounds = array<i64: 16, 128>}, {transform_indices = @transform_3, window_bounds = array<i64: 1024, 128>}]} {
    %get3A = arith.constant 0 : index
    %get3A_0 = arith.constant 0 : index
    %get3A_1 = arith.constant 0 : index
    %get3A_2 = vector.load %arg1[%get3A, %get3A_0, %get3A_1] : memref<2x1024x80xf32, #tpu.memory_space<vmem>>, vector<1x1024x64xf32>
    %get3A_3 = vector.shape_cast %get3A_2 : vector<1x1024x64xf32> to vector<1024x64xf32>
    %get3A_4 = arith.constant 1 : index
    %get3A_5 = arith.constant 0 : index
    %get3A_6 = arith.constant 0 : index
    %get3A_7 = vector.load %arg1[%get3A_4, %get3A_5, %get3A_6] : memref<2x1024x80xf32, #tpu.memory_space<vmem>>, vector<1x1024x64xf32>
    %get3A_8 = vector.shape_cast %get3A_7 : vector<1x1024x64xf32> to vector<1024x64xf32>
    %concatenate3A = tpu.concatenate %get3A_3, %get3A_8 in 1 : vector<1024x64xf32>, vector<1024x64xf32> -> vector<1024x128xf32>
    %get3A_9 = arith.constant 0 : index
    %get3A_10 = arith.constant 0 : index
    %get3A_11 = arith.constant 64 : index
    %get3A_12 = vector.load %arg1[%get3A_9, %get3A_10, %get3A_11] : memref<2x1024x80xf32, #tpu.memory_space<vmem>>, vector<1x1024x16xf32>
    %get3A_13 = vector.shape_cast %get3A_12 : vector<1x1024x16xf32> to vector<1024x16xf32>
    %get3A_14 = arith.constant 0 : index
    %get3A_15 = arith.constant 0 : index
    %get3A_16 = vector.load %arg2[%get3A_14, %get3A_15] : memref<16x128xf32, #tpu.memory_space<vmem>>, vector<16x128xf32>
    %dot_general3A = arith.constant dense<0.000000e+00> : vector<1024x128xf32>
    %dot_general3A_17 = tpu.matmul %get3A_13, %get3A_16, %dot_general3A {dimension_numbers = #tpu.dot_dimension_numbers<[1], [0], [0], [1], [0, 0, 1, 1], [], []>, transpose_lhs_hint = false} : vector<1024x16xf32>, vector<16x128xf32>, vector<1024x128xf32> -> vector<1024x128xf32>
    %get3A_18 = arith.constant 1 : index
    %get3A_19 = arith.constant 0 : index
    %get3A_20 = arith.constant 64 : index
    %get3A_21 = vector.load %arg1[%get3A_18, %get3A_19, %get3A_20] : memref<2x1024x80xf32, #tpu.memory_space<vmem>>, vector<1x1024x16xf32>
    %get3A_22 = vector.shape_cast %get3A_21 : vector<1x1024x16xf32> to vector<1024x16xf32>
    %get3A_23 = arith.constant 0 : index
    %get3A_24 = arith.constant 0 : index
    %get3A_25 = vector.load %arg3[%get3A_23, %get3A_24] : memref<16x128xf32, #tpu.memory_space<vmem>>, vector<16x128xf32>
    %dot_general3A_26 = arith.constant dense<0.000000e+00> : vector<1024x128xf32>
    %dot_general3A_27 = tpu.matmul %get3A_22, %get3A_25, %dot_general3A_26 {dimension_numbers = #tpu.dot_dimension_numbers<[1], [0], [0], [1], [0, 0, 1, 1], [], []>, transpose_lhs_hint = false} : vector<1024x16xf32>, vector<16x128xf32>, vector<1024x128xf32> -> vector<1024x128xf32>
    %add3A = arith.addf %dot_general3A_17, %dot_general3A_27 : vector<1024x128xf32>
    %gt3A = arith.constant 0.000000e+00 : f32
    %gt3A_28 = vector.broadcast %gt3A : f32 to vector<1024x128xf32>
    %gt3A_29 = arith.cmpf ogt, %add3A, %gt3A_28 : vector<1024x128xf32>
    %gt3A_30 = arith.constant 0.000000e+00 : f32
    %gt3A_31 = vector.broadcast %gt3A_30 : f32 to vector<1024x128xf32>
    %gt3A_32 = arith.cmpf ogt, %add3A, %gt3A_31 : vector<1024x128xf32>
    %jit3A = arith.constant 1.000000e+00 : f32
    %broadcast_in_dim3A = vector.broadcast %jit3A : f32 to vector<1024x128xf32>
    %select_n3A = arith.select %gt3A_32, %add3A, %broadcast_in_dim3A : vector<1024x128xi1>, vector<1024x128xf32>
    %div3A = arith.divf %concatenate3A, %select_n3A : vector<1024x128xf32>
    %jit3A_33 = arith.constant 0.000000e+00 : f32
    %broadcast_in_dim3A_34 = vector.broadcast %jit3A_33 : f32 to vector<1024x128xf32>
    %select_n3A_35 = arith.select %gt3A_29, %div3A, %broadcast_in_dim3A_34 : vector<1024x128xi1>, vector<1024x128xf32>
    %gt3A_36 = arith.constant 0.000000e+00 : f32
    %gt3A_37 = vector.broadcast %gt3A_36 : f32 to vector<1024x128xf32>
    %gt3A_38 = arith.cmpf ogt, %select_n3A_35, %gt3A_37 : vector<1024x128xf32>
    %exp3A = math.exp %select_n3A_35 : vector<1024x128xf32>
    %sub3A = arith.constant 1.000000e+00 : f32
    %sub3A_39 = vector.broadcast %sub3A : f32 to vector<1024x128xf32>
    %sub3A_40 = arith.subf %exp3A, %sub3A_39 : vector<1024x128xf32>
    %select_n3A_41 = arith.select %gt3A_38, %select_n3A_35, %sub3A_40 : vector<1024x128xi1>, vector<1024x128xf32>
    %swap3A = arith.constant 0 : index
    %swap3A_42 = arith.constant 0 : index
    %swap3A_43 = vector.load %arg4[%swap3A, %swap3A_42] : memref<1024x128xf32, #tpu.memory_space<vmem>>, vector<1024x128xf32>
    tpu.vector_store %arg4[%swap3A, %swap3A_42], %select_n3A_41 {strides = array<i32>} : memref<1024x128xf32, #tpu.memory_space<vmem>>, vector<1024x128xf32>,
    return
  }
  func.func @transform_0(%arg0: i32) -> (i32, i32, i32) {
    %c0_i32 = arith.constant 0 : i32
    %c0_i32_0 = arith.constant 0 : i32
    %c0_i32_1 = arith.constant 0 : i32
    return %c0_i32, %arg0, %c0_i32_0 : i32, i32, i32
  }
  func.func @transform_1(%arg0: i32) -> (i32, i32) {
    %c0_i32 = arith.constant 0 : i32
    %c0_i32_0 = arith.constant 0 : i32
    %c0_i32_1 = arith.constant 0 : i32
    return %c0_i32, %c0_i32_0 : i32, i32
  }
  func.func @transform_2(%arg0: i32) -> (i32, i32) {
    %c0_i32 = arith.constant 0 : i32
    %c0_i32_0 = arith.constant 0 : i32
    %c0_i32_1 = arith.constant 0 : i32
    return %c0_i32, %c0_i32_0 : i32, i32
  }
  func.func @transform_3(%arg0: i32) -> (i32, i32) {
    %c0_i32 = arith.constant 0 : i32
    %c0_i32_0 = arith.constant 0 : i32
    return %arg0, %c0_i32 : i32, i32
  }
}

</mosaic_0001>

<sc_bundles>
// kernel: kernel.5.cloned.1.call-start
scs
__scs_entry_jumppad:
0x0: {  	(pc) =	sbr.rel $0x88, $3  }
0x1: {  	(tag) =	ssettag $0x0;
	lr =	simm.s32 $0x1  }
0x2: {  	[smem:$0x3F9A] =	sst lr;
	_ =	strace $0xD0000000  }
0x3: {  	_ = 	snop  }
0x4: {  	_ = 	snop  }
0x5: {  	_ = 	snop  }
0x6: {  	_ = 	snop  }
0x7: {  	_ = 	snop  }
__scs_overlays_trampoline_lowered:
0x8: {  	[smem:$0x3FA9] =	sst s0  }
0x9: {  	[smem:$0x3FAA] =	sst s1  }
0xa: {  	[smem:$0x3FAB] =	sst s2  }
0xb: {  	[smem:$0x3FAC] =	sst s3  }
0xc: {  	[smem:$0x3FAD] =	sst s4  }
0xd: {  	[smem:$0x3FAE] =	sst s5  }
0xe: {  	[smem:$0x3FAF] =	sst s6  }
0xf: {  	[smem:$0x3FB0] =	sst s7  }
0x10: {  	[smem:$0x3FB1] =	sst s8  }
0x11: {  	[smem:$0x3FB2] =	sst s9;
	s0 =	simm.s32 @!p0 $0x0  }
0x12: {  	s1 =	sld [smem:$0x3F98];
	s0 =	simm.s32 @p0 $0x1  }
0x13: {  	[smem:$0x3FB3] =	sst s0;
	s0 =	simm.s32 @!p1 $0x0  }
0x14: {  	s2 =	sld [smem:$0x3F97];
	s0 =	simm.s32 @p1 $0x1  }
0x15: {  	[smem:$0x3FB4] =	sst s0;
	s0 =	simm.s32 @!p2 $0x0  }
0x16: {  	s3 =	sld [smem:$0x3FDB];
	s0 =	simm.s32 @p2 $0x1  }
0x17: {  	s4 =	simm.s32 $0x1BF5;
	[smem:$0x3FB6] =	sst s0  }
0x18: {  	s0 =	sld [smem:$0x3F99];
	_ =	swait.ge [sflag:s4], $0x0  }
0x19: {  	s7 =	sld [smem:$0x3F9A]  }
0x1a: {  	s8 =	sadd.s32 $0xFFFFE003, lr  }
0x1b: {  	s9 =	sadd.s32 $0xFFFFFEF7, lr;
	s5 =	simm.s32 $0xFFFFFFFF;
	p2 =	slt.u32 s8, $0xFFFFF086  }
0x1c: {  	p1 =	slt.u32 s9, $0xF7A;
	s5 =	simm.s32 @!p2 $0x0  }
0x1d: {  	s5 =	simm.s32 @p1 $0x1;
	p0 =	seq.s32 s7, s2  }
0x1e: {  	s7 =	smul.u32 @!p0 $0xF7A, s2;
	p2 =	seq.s32 @!p0 s5, $0x0  }
0x1f: {  	s9 =	smul.u32 $0xF7A, s1;
	s8 =	simm.s32 @!p0 $0x1BF5;
	p2 =	por !p2, p0  }
0x20: {  	[sflag:s8] =	ssyncset.s32 @!p0 $0xFFFFF086;
	s6 =	sadd.s32 @!p0 s3, s7;
	s7 =	simm.s32 @!p0 $0x108  }
0x21: {  	s3 =	sadd.s32 s3, s9;
	s6 =	sadd.s32 @!p0 $0x88, s6;
	s7 =	simm.s32 @p2 $0x1082  }
0x22: {  	[simem:s7], [sflag:s8] =	dma.local @!p0 [hbm:s6], $0xF7A  }
0x23: {  	s9 =	sor.u32 $0xD0000000, s2;
	s6 =	simm.s32 $0x108;
	_ =	swait.ge @!p0 [sflag:s8], $0x0  }
0x24: {  	s3 =	sadd.s32 $0x88, s3;
	s6 =	simm.s32 @!p1 $0x1082;
	[sflag:s4] =	ssyncset.s32 $0xFFFFF086  }
0x25: {  	[simem:s6], [sflag:s4] =	dma.local [hbm:s3], $0xF7A  }
0x26: {  	[smem:$0x3F9A] =	sst s1;
	(tag) =	ssettag s2;
	_ =	strace s9  }
0x27: {  	s1 =	sld [smem:$0x3FAA]  }
0x28: {  	s2 =	sld [smem:$0x3FAB]  }
0x29: {  	s4 =	sld [smem:$0x3FAD]  }
0x2a: {  	p0 =	seq.s32 s5, $0x0;
	s5 =	sld [smem:$0x3FAE]  }
0x2b: {  	s6 =	sld [smem:$0x3FAF]  }
0x2c: {  	s7 =	sld [smem:$0x3FB0]  }
0x2d: {  	s3 =	simm.s32 $0x108;
	s8 =	sld [smem:$0x3FB1]  }
0x2e: {  	s3 =	simm.s32 @!p0 $0x1082;
	s9 =	sld [smem:$0x3FB2]  }
0x2f: {  	lr =	sadd.s32 s0, s3;
	s0 =	sld [smem:$0x3FA9]  }
0x30: {  	s3 =	sld [smem:$0x3FAC]  }
0x31: {  	[smem:$0x3FB5] =	sst s10  }
0x32: {  	s10 =	sld [smem:$0x3FB3];
	_ =	sdelay $0x3  }
0x33: {  	p0 =	seq.s32 s10, $0x1;
	s10 =	sld [smem:$0x3FB5];
	_ =	sdelay $0x3  }
0x34: {  	[smem:$0x3FB5] =	sst s10  }
0x35: {  	s10 =	sld [smem:$0x3FB4];
	_ =	sdelay $0x3  }
0x36: {  	p1 =	seq.s32 s10, $0x1;
	s10 =	sld [smem:$0x3FB5];
	_ =	sdelay $0x3  }
0x37: {  	[smem:$0x3FB5] =	sst s10  }
0x38: {  	s10 =	sld [smem:$0x3FB6]  }
0x39: {  	_ = 	snop;
	(pc) =	sbr.ind lr, $3  }
0x3a: {  	_ = 	snop  }
0x3b: {  	_ = 	snop  }
0x3c: {  	p2 =	seq.s32 s10, $0x1;
	s10 =	sld [smem:$0x3FB5]  }
0x3d: {  	_ =	shalt  }
0x3e: {  	_ =	shalt  }
0x3f: {  	_ =	shalt  }
0x40: {  	_ =	shalt  }
0x41: {  	_ =	shalt  }
0x42: {  	_ =	shalt  }
0x43: {  	_ =	shalt  }
0x44: {  	_ =	shalt  }
0x45: {  	_ =	shalt  }
0x46: {  	_ =	shalt  }
0x47: {  	_ =	shalt  }
0x48: {  	_ =	shalt  }
0x49: {  	_ =	shalt  }
0x4a: {  	_ =	shalt  }
0x4b: {  	_ =	shalt  }
0x4c: {  	_ =	shalt  }
0x4d: {  	_ =	shalt  }
0x4e: {  	_ =	shalt  }
0x4f: {  	_ =	shalt  }
0x50: {  	_ =	shalt  }
0x51: {  	_ =	shalt  }
0x52: {  	_ =	shalt  }
0x53: {  	_ =	shalt  }
0x54: {  	_ =	shalt  }
0x55: {  	_ =	shalt  }
0x56: {  	_ =	shalt  }
0x57: {  	_ =	shalt  }
0x58: {  	_ =	shalt  }
0x59: {  	_ =	shalt  }
0x5a: {  	_ =	shalt  }
0x5b: {  	_ =	shalt  }
0x5c: {  	_ =	shalt  }
0x5d: {  	_ =	shalt  }
0x5e: {  	_ =	shalt  }
0x5f: {  	_ =	shalt  }
0x60: {  	_ =	shalt  }
0x61: {  	_ =	shalt  }
0x62: {  	_ =	shalt  }
0x63: {  	_ =	shalt  }
0x64: {  	_ =	shalt  }
0x65: {  	_ =	shalt  }
0x66: {  	_ =	shalt  }
0x67: {  	_ =	shalt  }
0x68: {  	_ =	shalt  }
0x69: {  	_ =	shalt  }
0x6a: {  	_ =	shalt  }
0x6b: {  	_ =	shalt  }
0x6c: {  	_ =	shalt  }
0x6d: {  	_ =	shalt  }
0x6e: {  	_ =	shalt  }
0x6f: {  	_ =	shalt  }
0x70: {  	_ =	shalt  }
0x71: {  	_ =	shalt  }
0x72: {  	_ =	shalt  }
0x73: {  	_ =	shalt  }
0x74: {  	_ =	shalt  }
0x75: {  	_ =	shalt  }
0x76: {  	_ =	shalt  }
0x77: {  	_ =	shalt  }
0x78: {  	_ =	shalt  }
0x79: {  	_ =	shalt  }
0x7a: {  	_ =	shalt  }
0x7b: {  	_ =	shalt  }
0x7c: {  	_ =	shalt  }
0x7d: {  	_ =	shalt  }
0x7e: {  	_ =	shalt  }
0x7f: {  	_ =	shalt  }
0x80: {  	_ =	shalt  }
0x81: {  	_ =	shalt  }
0x82: {  	_ =	shalt  }
0x83: {  	_ =	shalt  }
0x84: {  	_ =	shalt  }
0x85: {  	_ =	shalt  }
0x86: {  	_ =	shalt  }
0x87: {  	_ =	shalt  }
.Lfunc_end0:
.L_simem_size_0:
called_computation_lowered:
.L_overlay_start_0:
0x88: {  	s2 =	sld [smem:$0x3FD9]  }
0x89: {  	s3 =	sld [smem:$0x3FFE];
	_ =	sdelay $0x1  }
0x8a: {  	s1 =	srdreg.scid  }
0x8b: {  	s0 =	sand.u32 $0x1, s1  }
0x8c: {  	s17 =	sshll.u32 s0, $0xA;
	s2 =	sadd.s32 s3, s2  }
0x8d: {  	s2 =	sadd.s32 s2, s17  }
0x8e: {  	[smem:$0x3FC1] =	sst s2  }
0x8f: {  	_ = 	snop  }
0x90: {  	s2 =	sld [smem:$0x3FD0];
	(tm) =	ssettm $0x1  }
0x91: {  	s18 =	sld [smem:$0x3FFB];
	_ =	sdelay $0x3  }
0x92: {  	_ =	strace s18  }
0x93: {  	s3 =	sld [smem:$0x3FFC];
	_ =	sdelay $0x3  }
0x94: {  	_ =	strace s3  }
0x95: {  	s3 =	sld [smem:$0x3FFD];
	_ =	sdelay $0x3  }
0x96: {  	_ =	strace s3  }
0x97: {  	_ =	strace $0x8FFFFFFF  }
0x98: {  	s19 =	sld [smem:$0x3FDB];
	_ =	sdelay $0x1  }
0x99: {  	s4 =	simm.s32 $_scs_section_size  }
0x9a: {  	s5 =	simm.s32 $_size__tile_overlayer_lowered;
	s6 =	simm.s32 $_tile_overlayer_lowered  }
0x9b: {  	s22 =	simm.s32 $0x1BFF;
	s21 =	sshll.u32 s6, $0x1;
	s3 =	sadd.s32 s4, s19  }
0x9c: {  	s7 =	simm.s32 $0x0;
	s20 =	sshll.u32 s5, $0x1;
	s5 =	sadd.s32 s21, s3  }
0x9d: {  	[timem:s7], [sflag:s22] =	dma.local [hbm:s5], s20  }
0x9e: {  	_ =	swait.ge [sflag:s22], s20  }
0x9f: {  	s4 =	ssub.s32 $0x0, s20;
	[sflag:s22] =	ssyncset.done $0x0  }
0xa0: {  	[sflag:s22] =	ssyncadd.s32 s4;
	_ =	sdelay $0x1  }
0xa1: {  	s23 =	simm.s32 $0x1B8B  }
0xa2: {  	_ =	swait.ge [sflag:s23], $0x1  }
0xa3: {  	[sflag:s23] =	ssyncset.done $0x0  }
0xa4: {  	s25 =	simm.s32 $0x1B8E;
	s24 =	sld [smem:$0x3FFE];
	[sflag:s23] =	ssyncadd.s32 $0xFFFFFFFF  }
0xa5: {  	s26 =	simm.s32 $execute0_lowered;
	[smem:$0x3FD2] =	sst s25  }
0xa6: {  	s5 =	sshll.u32 s26, $0x1;
	_ =	strace $0x80000046;
	[dreg:$0x1] =	wrdreg $0xFFFFFFFF  }
0xa7: {  	s28 =	simm.s32 $_size_execute0_lowered;
	s3 =	sadd.s32 s3, s5;
	[dreg:$0x0] =	wrdreg $0x0  }
0xa8: {  	s5 =	sshll.u32 s28, $0x1;
	[dreg:$0x2] =	wrdreg s3  }
0xa9: {  	[dreg:$0x3] =	wrdreg s5  }
0xaa: {  	[dreg:$0x4] =	wrdreg $0xC0  }
0xab: {  	_ =	task [dreg:s7], $0x5FFFF  }
0xac: {  	[dreg:$0x1] =	wrdreg $0xFFFFFFFF  }
0xad: {  	[dreg:$0x0] =	wrdreg $0x60  }
0xae: {  	[dreg:$0x2] =	wrdreg s24  }
0xaf: {  	[dreg:$0x3] =	wrdreg s2  }
0xb0: {  	[dreg:$0x4] =	wrdreg $0x0  }
0xb1: {  	[dreg:$0x5] =	wrdreg $0xC8000  }
0xb2: {  	[dreg:$0x6] =	wrdreg $0x190000  }
0xb3: {  	[dreg:$0x7] =	wrdreg $0x9  }
0xb4: {  	_ =	task.clear_ibuf [dreg:s7], $0x8FFFF;
	_ =	strace $0x90000046  }
0xb5: {  	s29 =	simm.s32 $0x9;
	_ =	strace $0x80000048  }
0xb6: {  	_ =	swait.ge [sflag:s29], $0x1  }
0xb7: {  	[sflag:s29] =	ssyncadd.s32 $0xFFFFFFFF  }
0xb8: {  	_ =	strace $0x90000048  }
0xb9: {  	_ =	sfence  }
0xba: {  	s30 =	sld [smem:$0x0];
	_ =	sdelay $0x2  }
0xbb: {  	s31 =	sshll.u32 s1, $0xD;
	s1 =	sshrl.u32 s1, $0x2  }
0xbc: {  	s3 =	sand.u32 $0x4000, s31;
	s1 =	sadd.s32 s1, s30  }
0xbd: {  	s0 =	sor.u32 s3, s0;
	s1 =	sshll.u32 s1, $0x11  }
0xbe: {  	s0 =	sor.u32 s1, s0  }
0xbf: {  	s0 =	sadd.s32 $0x8F2B, s0  }
0xc0: {  	[sflag:s0] =	ssyncadd.remote.s32 $0x1  }
0xc1: {  	_ =	sfence.sel $0xFFFF  }
0xc2: {  	[dreg:$0x0] =	wrdreg $0xFFFFFFFF;
	(pc) =	sbr.abs _section_cstart, $3  }
0xc3: {  	[dreg:$0x1] =	wrdreg $0xFFFFFFFF  }
0xc4: {  	_ =	task.clear_ibuf [dreg:s7], $0x2FFFF;
	_ =	strace $0x9FFFFFFF  }
0xc5: {  	(tm) =	ssettm $0x7FFFFFFF  }
tec
execute0_lowered:
.L_overlay_start_1:
0x0: {  	(tag) =	ssettag $0x1  }
0x1: {  	s0 =	rddreg [dreg:$0x0]  }
0x2: {  	s2 =	rddreg [dreg:$0x1]  }
0x3: {  	s1 =	rddreg [dreg:$0x2]  }
0x4: {  	s3 =	rddreg [dreg:$0x3]  }
0x5: {  	s4 =	rddreg [dreg:$0x4];
	s6 =	srdreg.scid  }
0x6: {  	s15 =	stileid.u32;
	s5 =	simm.s32 $0x0;
	s28 =	simm.s32 $0x1C3E0  }
0x7: {  	s29 =	simm.s32 $0x3;
	s30 =	simm.s32 $0x1B850;
	s9 =	smul.u32 $0xC800, s15  }
0x8: {  	s31 =	simm.s32 $0x1B8F0;
	s8 =	sand.u32 $0x1, s6;
	s14 =	smul.u32 $0x2800, s15  }
0x9: {  	[smem:$0x7FF] =	sst s5;
	s6 =	sadd.s32 $0x13E00, s0;
	s7 =	smul.u32 $0xC8000, s8  }
0xa: {  	_ =	strace $0x80000047;
	s11 =	ssub.s32 $0x2, s8;
	s8 =	smul.u32 $0x28000, s8  }
0xb: {  	s12 =	sshrl.u32 s11, $0x1;
	s26 =	sadd.s32 s9, s1;
	s13 =	sshrl.u32 s9, $0x3  }
0xc: {  	s17 =	sadd.s32 s9, s3;
	s16 =	sadd.s32 s14, s4;
	s10 =	sadd.s32 s9, s7  }
0xd: {  	s7 =	sadd.s32 $0xA000, s0;
	s11 =	ssub.s32 s11, s12;
	s2 =	sadd.s32 s2, s13  }
0xe: {  	s13 =	sshll.u32 s15, $0x6;
	s15 =	smul.u32 $0x4E20, s15;
	s8 =	sadd.s32 s14, s8  }
0xf: {  	s25 =	sshrl.u32 s17, $0x3;
	s12 =	simm.s32 $0x1B990;
	s17 =	simm.s32 $0x0  }
0x10: {  	s10 =	sshrl.u32 s10, $0x3;
	[dreg:$0x6] =	wrdreg s2;
	s18 =	sor.u32 $0x1C07, s13  }
0x11: {  	s8 =	sshrl.u32 s8, $0x3;
	s24 =	smax.u32 s11, $0x1;
	[dreg:$0xf] =	wrdreg s25  }
0x12: {  	s25 =	simm.s32 $0x50;
	s2 =	simm.s32 $0x2;
	s11 =	simm.s32 $0x4  }
0x13: {  	s13 =	simm.s32 $0x5;
	s10 =	sadd.s32 s10, s0;
	s20 =	sshrl.u32 s15, $0x3  }
0x14: {  	s0 =	sadd.s32 s0, s8;
	s14 =	sadd.s32 $0x50, s15;
	[dreg:$0xd] =	wrdreg s24  }
0x15: {  	s15 =	sadd.s32 $0xA0, s15;
	s24 =	simm.s32 $0x1;
	[dreg:$0x7] =	wrdreg s18  }
0x16: {  	s8 =	simm.s32 $0x1BEE0;
	s19 =	sadd.s32 $0x50000, s10;
	[dreg:$0x9] =	wrdreg s0  }
0x17: {  	s21 =	sadd.s32 s6, s20;
	s22 =	sadd.s32 s7, s20;
	[dreg:$0x8] =	wrdreg s19  }
.Ltmp0:
0x18: {  	s23 =	sadd.s32 $0x1DC00, s10;
	[dreg:$0xa] =	wrdreg s21;
	(pc) =	sbr.rel .LBB2_1-.Ltmp0, $4  }
0x19: {  	s20 =	simm.s32 $0x7;
	s0 =	simm.s32 $0x1B940;
	[dreg:$0xb] =	wrdreg s22  }
0x1a: {  	[dreg:$0xc] =	wrdreg s23;
	s19 =	sshrl.u32 s26, $0x3;
	s26 =	sshrl.u32 s16, $0x3  }
0x1b: {  	v0 =	vimm.s32 $0x0;
	s10 =	simm.s32 $0x1DCE0;
	s22 =	simm.s32 $0x1B800;
	[dreg:$0x10] =	wrdreg s26  }
0x1c: {  	v1 =	vimm.s32 $0x1;
	v2 =	vimm.s32 $0x2;
	v3 =	vimm.s32 $0x3;
	s23 =	simm.s32 $0x1B8A0;
	s26 =	simm.s32 $0x1B9E0;
	[dreg:$0xe] =	wrdreg s19  }
.LBB2_8:
0x1d: {  	s9 =	simm.s32 $0x6  }
0x1e: {  	_ =	swait.ge [sflag:s9], $0x1900  }
0x1f: {  	[sflag:s9] =	ssyncset.done $0x0  }
0x20: {  	[sflag:s9] =	ssyncadd.s32 $0xFFFFE700  }
0x21: {  	[bflag:$0x0] =	sbarrier.arrive $0xFFFF  }
0x22: {  	s18 =	rddreg [dreg:$0x7]  }
0x23: {  	s20 =	rddreg [dreg:$0xc]  }
0x24: {  	s19 =	rddreg [dreg:$0xe]  }
0x25: {  	[hbm:s20], [sflag:s18] =	dma.local [spmem:s19], $0x1900  }
0x26: {  	s20 =	simm.s32 $0x7  }
0x27: {  	_ =	swait.ge [sflag:s20], $0x1900  }
0x28: {  	s17 =	sadd.s32 $0x1, s17;
	s21 =	rddreg [dreg:$0xd]  }
0x29: {  	p0 =	sne.s32 s17, s21  }
.Ltmp1:
0x2a: {  	_ = 	snop;
	(pc) =	sbr.rel @!p0 .LBB2_9-.Ltmp1, $3  }
0x2b: {  	_ =	sdelay $0x1  }
0x2c: {  	[sflag:s20] =	ssyncset.done $0x0  }
0x2d: {  	[sflag:s20] =	ssyncadd.s32 $0xFFFFE700  }
.LBB2_1:
0x2e: {  	s9 =	rddreg [dreg:$0x6]  }
0x2f: {  	[spmem:s19], [sflag:s18] =	dma.local [hbm:s9], $0x1900  }
0x30: {  	_ =	swait.ge [sflag:s20], $0x1900  }
0x31: {  	[sflag:s20] =	ssyncset.done $0x0;
	s21 =	rddreg [dreg:$0x8]  }
0x32: {  	s16 =	rddreg [dreg:$0xf];
	[sflag:s20] =	ssyncadd.s32 $0xFFFFE700  }
0x33: {  	[spmem:s16], [sflag:s18] =	dma.local [hbm:s21], $0x1900  }
0x34: {  	_ =	swait.ge [sflag:s20], $0x1900  }
0x35: {  	[sflag:s20] =	ssyncset.done $0x0;
	s16 =	rddreg [dreg:$0x9]  }
0x36: {  	s19 =	rddreg [dreg:$0x10];
	[sflag:s20] =	ssyncadd.s32 $0xFFFFE700  }
0x37: {  	[spmem:s19], [sflag:s18] =	dma.local [hbm:s16], $0x500  }
0x38: {  	_ =	swait.ge [sflag:s20], $0x500  }
0x39: {  	[sflag:s20] =	ssyncset.done $0x0  }
0x3a: {  	[sflag:s20] =	ssyncadd.s32 $0xFFFFFB00  }
0x3b: {  	[bflag:$0x0] =	sbarrier.arrive $0xFFFF  }
0x3c: {  	s20 =	rddreg [dreg:$0xa]  }
0x3d: {  	[tilespmem:s22], [sflag:$0x1] =	stream.linear.gather [hbm4b:s20+s5], $0x50, $0x38;
	[tilespmem:$0x1F5E0] =	vst v63  }
0x3e: {  	s21 =	rddreg [dreg:$0xb]  }
0x3f: {  	[tilespmem:s23], [sflag:$0x1] =	stream.linear.gather [hbm4b:s21+s5], $0x50, $0x38;
	[tilespmem:$0x1F5E0] =	vst v63  }
0x40: {  	_ =	swait.ge [sflag:s24], $0x50  }
0x41: {  	[sflag:s24] =	ssyncset.done $0x0  }
0x42: {  	[sflag:s24] =	ssyncadd.s32 $0xFFFFFFB0  }
0x43: {  	_ =	swait.ge [sflag:s24], $0x50  }
0x44: {  	[sflag:s24] =	ssyncset.done $0x0  }
0x45: {  	[sflag:s24] =	ssyncadd.s32 $0xFFFFFFB0  }
0x46: {  	[tilespmem:s26], [sflag:$0x3] =	stream.indirect.gather [spmem:s4], $0x10, s22, s25, $0xb8;
	[tilespmem:$0x1F5E0] =	vst v63  }
0x47: {  	s20 =	simm.s32 $0x0  }
0x48: {  	[tilespmem:s28], [sflag:$0x3] =	stream.indirect.gather [spmem:s3], $0x50, s23, s25, $0xb8;
	[tilespmem:$0x1F5E0] =	vst v63  }
.LBB2_2:
0x49: {  	_ =	swait.ge [sflag:s29], $0x500  }
0x4a: {  	[sflag:s29] =	ssyncset.done $0x0  }
0x4b: {  	[sflag:s29] =	ssyncadd.s32 $0xFFFFFB00  }
0x4c: {  	_ =	swait.ge [sflag:s29], $0x1900  }
0x4d: {  	[sflag:s29] =	ssyncset.done $0x0  }
0x4e: {  	[sflag:s29] =	ssyncadd.s32 $0xFFFFE700  }
0x4f: {  	v4 =	vld [tilespmem:$0x1B800]  }
0x50: {  	v5 =	vld [tilespmem:$0x1B810]  }
0x51: {  	v6 =	vld [tilespmem:$0x1B820]  }
0x52: {  	v7 =	vld [tilespmem:$0x1B830]  }
0x53: {  	v8 =	vld [tilespmem:$0x1B840]  }
0x54: {  	s21 =	smul.u32 $0xA0, s20;
	[tilespmem:$0x1B940] =	vst v4  }
0x55: {  	[tilespmem:$0x1B950] =	vst v5  }
0x56: {  	s9 =	sadd.s32 s21, s14;
	[tilespmem:$0x1B960] =	vst v6  }
0x57: {  	s9 =	sshrl.u32 s9, $0x3;
	[tilespmem:$0x1B970] =	vst v7  }
0x58: {  	s16 =	sadd.s32 s6, s9;
	[tilespmem:$0x1B980] =	vst v8  }
0x59: {  	[tilespmem:s30], [sflag:$0x2] =	stream.linear.gather [hbm4b:s16+s5], $0x50, $0x38;
	[tilespmem:$0x1F5E0] =	vst v63  }
0x5a: {  	s9 =	sadd.s32 s7, s9;
	s16 =	simm.s32 $0x1C430  }
0x5b: {  	[tilespmem:s31], [sflag:$0x2] =	stream.linear.gather [hbm4b:s9+s5], $0x50, $0x38;
	[tilespmem:$0x1F5E0] =	vst v63  }
0x5c: {  	s18 =	simm.s32 $0x1B9F0;
	v4 =	vld [tilespmem:s16+$0xFFFFFFF0]  }
0x5d: {  	v5 =	vld [tilespmem:s18+$0xFFFFFFF0];
	_ =	sdelay $0x4  }
0x5e: {  	v4 =	vadd.f32 v4, v5;
	_ =	sdelay $0x1  }
0x5f: {  	v5 =	vmul.f32 $2.000000030e-01, v4;
	_ =	sdelay $0x1  }
0x60: {  	v4 =	vmax.f32 v5, v4  }
0x61: {  	v4 =	vmul.f32 $1.442695020e+00, v4;
	_ =	sdelay $0x1  }
0x62: {  	(erf) = vpow2.f32 v4;
	_ =	sdelay $0x6  }
0x63: {  	v4 =	vld [tilespmem:s16+$0xFFFFFFE0]  }
0x64: {  	v5 =	vld [tilespmem:s16+$0xFFFFFFC0]  }
0x65: {  	v6 =	vld [tilespmem:s16+$0xFFFFFFB0];
	v7 =	vpop (erf)  }
0x66: {  	v8 =	vld [tilespmem:s16+$0xFFFFFFD0];
	v9 =	vperm.xlane v7, v3  }
0x67: {  	v10 =	vperm.xlane v7, v1  }
0x68: {  	v11 =	vperm.xlane v7, v0;
	v4 =	vmul.f32 v4, v9  }
0x69: {  	[tilespmem:s16+$0xFFFFFFF0] =	vst v7;
	v7 =	vperm.xlane v7, v2;
	v5 =	vmul.f32 v5, v10  }
0x6a: {  	v6 =	vmul.f32 v6, v11;
	[tilespmem:s16+$0xFFFFFFE0] =	vst v4  }
0x6b: {  	v4 =	vmul.f32 v8, v7;
	[tilespmem:s16+$0xFFFFFFC0] =	vst v5  }
0x6c: {  	[tilespmem:s16+$0xFFFFFFB0] =	vst v6  }
0x6d: {  	[tilespmem:s16+$0xFFFFFFD0] =	vst v4;
	v4 =	vld [tilespmem:s16+$0x40]  }
0x6e: {  	v5 =	vld [tilespmem:s18+$0x0];
	_ =	sdelay $0x4  }
0x6f: {  	v4 =	vadd.f32 v4, v5;
	_ =	sdelay $0x1  }
0x70: {  	v5 =	vmul.f32 $2.000000030e-01, v4;
	_ =	sdelay $0x1  }
0x71: {  	v4 =	vmax.f32 v5, v4  }
0x72: {  	v4 =	vmul.f32 $1.442695020e+00, v4;
	_ =	sdelay $0x1  }
0x73: {  	(erf) = vpow2.f32 v4;
	_ =	sdelay $0x4  }
0x74: {  	v6 =	vld [tilespmem:s16+$0x10]  }
0x75: {  	v7 =	vld [tilespmem:s16+$0x0]  }
0x76: {  	v5 =	vld [tilespmem:s16+$0x20]  }
0x77: {  	v4 =	vld [tilespmem:s16+$0x30]  }
0x78: {  	v8 =	vpop (erf)  }
0x79: {  	s19 =	simm.s32 $0x0;
	s9 =	simm.s32 $0x1C430;
	v10 =	vperm.xlane v8, v0;
	v9 =	vperm.xlane v8, v1;
	[tilespmem:s16+$0x40] =	vst v8  }
.LBB2_3:
0x7a: {  	s19 =	sadd.s32 $0x2, s19;
	v11 =	vperm.xlane v8, v2;
	v8 =	vperm.xlane v8, v3;
	s18 =	sadd.s32 $0x20, s18;
	s16 =	sadd.s32 $0xA0, s16  }
0x7b: {  	p0 =	slt.u32 s19, $0x4E;
	v7 =	vmul.f32 v7, v10;
	v6 =	vmul.f32 v6, v9  }
0x7c: {  	v5 =	vmul.f32 v5, v11;
	v4 =	vmul.f32 v4, v8  }
0x7d: {  	[tilespmem:s9+$0x0] =	vst v7  }
0x7e: {  	[tilespmem:s9+$0x10] =	vst v6  }
0x7f: {  	[tilespmem:s9+$0x30] =	vst v4  }
0x80: {  	v4 =	vld [tilespmem:s16+$0xFFFFFFF0];
	[tilespmem:s9+$0x20] =	vst v5;
	s9 =	smov.u32 s16  }
0x81: {  	v5 =	vld [tilespmem:s18+$0xFFFFFFF0];
	_ =	sdelay $0x4  }
0x82: {  	v4 =	vadd.f32 v4, v5;
	_ =	sdelay $0x1  }
0x83: {  	v5 =	vmul.f32 $2.000000030e-01, v4;
	_ =	sdelay $0x1  }
0x84: {  	v4 =	vmax.f32 v5, v4  }
0x85: {  	v4 =	vmul.f32 $1.442695020e+00, v4;
	_ =	sdelay $0x1  }
0x86: {  	(erf) = vpow2.f32 v4;
	_ =	sdelay $0x4  }
0x87: {  	v4 =	vld [tilespmem:s16+$0xFFFFFFD0]  }
0x88: {  	v5 =	vld [tilespmem:s16+$0xFFFFFFE0]  }
0x89: {  	v6 =	vld [tilespmem:s16+$0xFFFFFFC0]  }
0x8a: {  	v7 =	vld [tilespmem:s16+$0xFFFFFFB0]  }
0x8b: {  	v8 =	vpop (erf)  }
0x8c: {  	v9 =	vperm.xlane v8, v1;
	v10 =	vperm.xlane v8, v3;
	[tilespmem:s16+$0xFFFFFFF0] =	vst v8  }
0x8d: {  	v11 =	vperm.xlane v8, v0;
	v8 =	vperm.xlane v8, v2  }
0x8e: {  	v6 =	vmul.f32 v6, v9;
	v5 =	vmul.f32 v5, v10  }
0x8f: {  	v4 =	vmul.f32 v4, v8;
	v7 =	vmul.f32 v7, v11  }
0x90: {  	[tilespmem:s16+$0xFFFFFFE0] =	vst v5  }
0x91: {  	[tilespmem:s16+$0xFFFFFFC0] =	vst v6  }
0x92: {  	[tilespmem:s16+$0xFFFFFFB0] =	vst v7  }
0x93: {  	[tilespmem:s16+$0xFFFFFFD0] =	vst v4;
	v4 =	vld [tilespmem:s16+$0x40]  }
0x94: {  	v5 =	vld [tilespmem:s18+$0x0];
	_ =	sdelay $0x4  }
0x95: {  	v4 =	vadd.f32 v4, v5;
	_ =	sdelay $0x1  }
0x96: {  	v5 =	vmul.f32 $2.000000030e-01, v4;
	_ =	sdelay $0x1  }
0x97: {  	v4 =	vmax.f32 v5, v4  }
0x98: {  	v4 =	vmul.f32 $1.442695020e+00, v4;
	_ =	sdelay $0x1  }
0x99: {  	(erf) = vpow2.f32 v4;
	_ =	sdelay $0x4  }
0x9a: {  	v7 =	vld [tilespmem:s16+$0x0]  }
.Ltmp2:
0x9b: {  	v4 =	vld [tilespmem:s16+$0x30];
	(pc) =	sbr.rel @p0 .LBB2_3-.Ltmp2, $4  }
0x9c: {  	v6 =	vld [tilespmem:s16+$0x10]  }
0x9d: {  	v5 =	vld [tilespmem:s16+$0x20]  }
0x9e: {  	v8 =	vpop (erf)  }
0x9f: {  	v10 =	vperm.xlane v8, v0;
	v9 =	vperm.xlane v8, v1;
	[tilespmem:s16+$0x40] =	vst v8  }
0xa0: {  	_ = 	snop  }
0xa1: {  	v11 =	vperm.xlane v8, v3;
	v7 =	vmul.f32 v7, v10  }
0xa2: {  	v8 =	vperm.xlane v8, v2;
	v6 =	vmul.f32 v6, v9  }
0xa3: {  	v4 =	vmul.f32 v4, v11;
	[tilespmem:s9+$0x0] =	vst v7  }
0xa4: {  	v5 =	vmul.f32 v5, v8;
	[tilespmem:s9+$0x10] =	vst v6  }
0xa5: {  	p0 =	seq.s32 s20, $0x0;
	[tilespmem:s9+$0x30] =	vst v4  }
0xa6: {  	[tilespmem:s9+$0x20] =	vst v5;
	s9 =	simm.s32 @!p0 $0x6  }
0xa7: {  	[spmem:s1] =	stream.indirect.scatter.add.f32 [tilespmem:s28], [sflag:$0x5], $0x50, s0, s25, $0xb8;
	[tilespmem:$0x1F5E0] =	vst v63  }
0xa8: {  	_ =	swait.ge @!p0 [sflag:s9], $0x1900  }
0xa9: {  	[sflag:s9] =	ssyncset.done @!p0 $0x0  }
0xaa: {  	[sflag:s9] =	ssyncadd.s32 @!p0 $0xFFFFE700  }
0xab: {  	_ =	swait.ge [sflag:s2], $0x50  }
0xac: {  	[sflag:s2] =	ssyncset.done $0x0  }
0xad: {  	[sflag:s2] =	ssyncadd.s32 $0xFFFFFFB0  }
0xae: {  	_ =	swait.ge [sflag:s2], $0x50  }
0xaf: {  	[sflag:s2] =	ssyncset.done $0x0  }
0xb0: {  	[sflag:s2] =	ssyncadd.s32 $0xFFFFFFB0  }
0xb1: {  	[tilespmem:s8], [sflag:$0x4] =	stream.indirect.gather [spmem:s4], $0x10, s30, s25, $0xb8;
	[tilespmem:$0x1F5E0] =	vst v63  }
0xb2: {  	_ = 	snop  }
0xb3: {  	[tilespmem:s10], [sflag:$0x4] =	stream.indirect.gather [spmem:s3], $0x50, s31, s25, $0xb8;
	[tilespmem:$0x1F5E0] =	vst v63  }
0xb4: {  	_ =	swait.ge [sflag:s11], $0x500  }
0xb5: {  	[sflag:s11] =	ssyncset.done $0x0  }
0xb6: {  	[sflag:s11] =	ssyncadd.s32 $0xFFFFFB00  }
0xb7: {  	_ =	swait.ge [sflag:s11], $0x1900  }
0xb8: {  	[sflag:s11] =	ssyncset.done $0x0  }
0xb9: {  	[sflag:s11] =	ssyncadd.s32 $0xFFFFE700  }
0xba: {  	v4 =	vld [tilespmem:$0x1B850]  }
0xbb: {  	v5 =	vld [tilespmem:$0x1B860]  }
0xbc: {  	v6 =	vld [tilespmem:$0x1B870]  }
0xbd: {  	v7 =	vld [tilespmem:$0x1B880]  }
0xbe: {  	v8 =	vld [tilespmem:$0x1B890]  }
0xbf: {  	[tilespmem:$0x1B990] =	vst v4  }
0xc0: {  	p0 =	seq.s32 s20, $0x7C;
	[tilespmem:$0x1B9A0] =	vst v5  }
0xc1: {  	s9 =	sadd.s32 @!p0 s21, s15;
	[tilespmem:$0x1B9B0] =	vst v6  }
0xc2: {  	s9 =	sshrl.u32 @!p0 s9, $0x3;
	[tilespmem:$0x1B9C0] =	vst v7  }
0xc3: {  	s18 =	simm.s32 @!p0 $0x0;
	s19 =	simm.s32 @!p0 $0x1B800;
	s16 =	sadd.s32 @!p0 s6, s9;
	[tilespmem:$0x1B9D0] =	vst v8  }
0xc4: {  	[tilespmem:s19], [sflag:$0x1] =	stream.linear.gather @!p0 [hbm4b:s16+s18], $0x50, $0x38;
	[tilespmem:$0x1F5E0] =	vst v63  }
0xc5: {  	s9 =	sadd.s32 @!p0 s7, s9;
	s16 =	simm.s32 @!p0 $0x1B8A0  }
0xc6: {  	[tilespmem:s16], [sflag:$0x1] =	stream.linear.gather @!p0 [hbm4b:s9+s18], $0x50, $0x38;
	[tilespmem:$0x1F5E0] =	vst v63  }
0xc7: {  	s16 =	simm.s32 $0x1DD30  }
0xc8: {  	s18 =	simm.s32 $0x1BEF0;
	v4 =	vld [tilespmem:s16+$0xFFFFFFF0]  }
0xc9: {  	v5 =	vld [tilespmem:s18+$0xFFFFFFF0];
	_ =	sdelay $0x4  }
0xca: {  	v4 =	vadd.f32 v4, v5;
	_ =	sdelay $0x1  }
0xcb: {  	v5 =	vmul.f32 $2.000000030e-01, v4;
	_ =	sdelay $0x1  }
0xcc: {  	v4 =	vmax.f32 v5, v4  }
0xcd: {  	v4 =	vmul.f32 $1.442695020e+00, v4;
	_ =	sdelay $0x1  }
0xce: {  	(erf) = vpow2.f32 v4;
	_ =	sdelay $0x6  }
0xcf: {  	v4 =	vld [tilespmem:s16+$0xFFFFFFE0]  }
0xd0: {  	v5 =	vld [tilespmem:s16+$0xFFFFFFC0]  }
0xd1: {  	v6 =	vld [tilespmem:s16+$0xFFFFFFB0];
	v7 =	vpop (erf)  }
0xd2: {  	v8 =	vld [tilespmem:s16+$0xFFFFFFD0];
	v9 =	vperm.xlane v7, v3  }
0xd3: {  	v10 =	vperm.xlane v7, v1  }
0xd4: {  	v11 =	vperm.xlane v7, v0;
	v4 =	vmul.f32 v4, v9  }
0xd5: {  	[tilespmem:s16+$0xFFFFFFF0] =	vst v7;
	v7 =	vperm.xlane v7, v2;
	v5 =	vmul.f32 v5, v10  }
0xd6: {  	v6 =	vmul.f32 v6, v11;
	[tilespmem:s16+$0xFFFFFFE0] =	vst v4  }
0xd7: {  	v4 =	vmul.f32 v8, v7;
	[tilespmem:s16+$0xFFFFFFC0] =	vst v5  }
0xd8: {  	[tilespmem:s16+$0xFFFFFFB0] =	vst v6  }
0xd9: {  	[tilespmem:s16+$0xFFFFFFD0] =	vst v4;
	v4 =	vld [tilespmem:s16+$0x40]  }
0xda: {  	v5 =	vld [tilespmem:s18+$0x0];
	_ =	sdelay $0x4  }
0xdb: {  	v4 =	vadd.f32 v4, v5;
	_ =	sdelay $0x1  }
0xdc: {  	v5 =	vmul.f32 $2.000000030e-01, v4;
	_ =	sdelay $0x1  }
0xdd: {  	v4 =	vmax.f32 v5, v4  }
0xde: {  	v4 =	vmul.f32 $1.442695020e+00, v4;
	_ =	sdelay $0x1  }
0xdf: {  	(erf) = vpow2.f32 v4;
	_ =	sdelay $0x4  }
0xe0: {  	v6 =	vld [tilespmem:s16+$0x10]  }
0xe1: {  	v7 =	vld [tilespmem:s16+$0x0]  }
0xe2: {  	v5 =	vld [tilespmem:s16+$0x20]  }
0xe3: {  	v4 =	vld [tilespmem:s16+$0x30]  }
0xe4: {  	v8 =	vpop (erf)  }
0xe5: {  	s19 =	simm.s32 $0x0;
	s9 =	simm.s32 $0x1DD30;
	v10 =	vperm.xlane v8, v0;
	v9 =	vperm.xlane v8, v1;
	[tilespmem:s16+$0x40] =	vst v8  }
.LBB2_5:
0xe6: {  	s19 =	sadd.s32 $0x2, s19;
	v11 =	vperm.xlane v8, v2;
	v8 =	vperm.xlane v8, v3;
	s18 =	sadd.s32 $0x20, s18;
	s16 =	sadd.s32 $0xA0, s16  }
0xe7: {  	p1 =	slt.u32 s19, $0x4E;
	v7 =	vmul.f32 v7, v10;
	v6 =	vmul.f32 v6, v9  }
0xe8: {  	v5 =	vmul.f32 v5, v11;
	v4 =	vmul.f32 v4, v8  }
0xe9: {  	[tilespmem:s9+$0x0] =	vst v7  }
0xea: {  	[tilespmem:s9+$0x10] =	vst v6  }
0xeb: {  	[tilespmem:s9+$0x30] =	vst v4  }
0xec: {  	v4 =	vld [tilespmem:s16+$0xFFFFFFF0];
	[tilespmem:s9+$0x20] =	vst v5;
	s9 =	smov.u32 s16  }
0xed: {  	v5 =	vld [tilespmem:s18+$0xFFFFFFF0];
	_ =	sdelay $0x4  }
0xee: {  	v4 =	vadd.f32 v4, v5;
	_ =	sdelay $0x1  }
0xef: {  	v5 =	vmul.f32 $2.000000030e-01, v4;
	_ =	sdelay $0x1  }
0xf0: {  	v4 =	vmax.f32 v5, v4  }
0xf1: {  	v4 =	vmul.f32 $1.442695020e+00, v4;
	_ =	sdelay $0x1  }
0xf2: {  	(erf) = vpow2.f32 v4;
	_ =	sdelay $0x4  }
0xf3: {  	v4 =	vld [tilespmem:s16+$0xFFFFFFD0]  }
0xf4: {  	v5 =	vld [tilespmem:s16+$0xFFFFFFE0]  }
0xf5: {  	v6 =	vld [tilespmem:s16+$0xFFFFFFC0]  }
0xf6: {  	v7 =	vld [tilespmem:s16+$0xFFFFFFB0]  }
0xf7: {  	v8 =	vpop (erf)  }
0xf8: {  	v9 =	vperm.xlane v8, v1;
	v10 =	vperm.xlane v8, v3;
	[tilespmem:s16+$0xFFFFFFF0] =	vst v8  }
0xf9: {  	v11 =	vperm.xlane v8, v0;
	v8 =	vperm.xlane v8, v2  }
0xfa: {  	v6 =	vmul.f32 v6, v9;
	v5 =	vmul.f32 v5, v10  }
0xfb: {  	v4 =	vmul.f32 v4, v8;
	v7 =	vmul.f32 v7, v11  }
0xfc: {  	[tilespmem:s16+$0xFFFFFFE0] =	vst v5  }
0xfd: {  	[tilespmem:s16+$0xFFFFFFC0] =	vst v6  }
0xfe: {  	[tilespmem:s16+$0xFFFFFFB0] =	vst v7  }
0xff: {  	[tilespmem:s16+$0xFFFFFFD0] =	vst v4;
	v4 =	vld [tilespmem:s16+$0x40]  }
0x100: {  	v5 =	vld [tilespmem:s18+$0x0];
	_ =	sdelay $0x4  }
0x101: {  	v4 =	vadd.f32 v4, v5;
	_ =	sdelay $0x1  }
0x102: {  	v5 =	vmul.f32 $2.000000030e-01, v4;
	_ =	sdelay $0x1  }
0x103: {  	v4 =	vmax.f32 v5, v4  }
0x104: {  	v4 =	vmul.f32 $1.442695020e+00, v4;
	_ =	sdelay $0x1  }
0x105: {  	(erf) = vpow2.f32 v4;
	_ =	sdelay $0x4  }
0x106: {  	v7 =	vld [tilespmem:s16+$0x0]  }
.Ltmp3:
0x107: {  	v4 =	vld [tilespmem:s16+$0x30];
	(pc) =	sbr.rel @p1 .LBB2_5-.Ltmp3, $4  }
0x108: {  	v6 =	vld [tilespmem:s16+$0x10]  }
0x109: {  	v5 =	vld [tilespmem:s16+$0x20]  }
0x10a: {  	v8 =	vpop (erf)  }
0x10b: {  	v10 =	vperm.xlane v8, v0;
	v9 =	vperm.xlane v8, v1;
	[tilespmem:s16+$0x40] =	vst v8  }
0x10c: {  	_ = 	snop  }
0x10d: {  	v11 =	vperm.xlane v8, v3;
	v7 =	vmul.f32 v7, v10  }
0x10e: {  	v63 =	vperm.xlane v8, v2;
	v6 =	vmul.f32 v6, v9  }
0x10f: {  	v4 =	vmul.f32 v4, v11;
	[tilespmem:s9+$0x0] =	vst v7  }
0x110: {  	v5 =	vmul.f32 v5, v63;
	[tilespmem:s9+$0x10] =	vst v6  }
0x111: {  	[tilespmem:s9+$0x30] =	vst v4  }
.Ltmp4:
0x112: {  	[tilespmem:s9+$0x20] =	vst v5;
	(pc) =	sbr.rel @p0 .LBB2_8-.Ltmp4, $4  }
0x113: {  	[spmem:s1] =	stream.indirect.scatter.add.f32 [tilespmem:s10], [sflag:$0x6], $0x50, s12, s25, $0xb8;
	[tilespmem:$0x1F5E0] =	vst v63  }
0x114: {  	_ =	swait.ge [sflag:s13], $0x1900  }
0x115: {  	[sflag:s13] =	ssyncset.done $0x0  }
0x116: {  	[sflag:s13] =	ssyncadd.s32 $0xFFFFE700  }
0x117: {  	_ =	swait.ge [sflag:s24], $0x50  }
0x118: {  	[sflag:s24] =	ssyncset.done $0x0  }
0x119: {  	[sflag:s24] =	ssyncadd.s32 $0xFFFFFFB0  }
0x11a: {  	_ =	swait.ge [sflag:s24], $0x50  }
.Ltmp5:
0x11b: {  	[sflag:s24] =	ssyncset.done $0x0;
	(pc) =	sbr.rel .LBB2_2-.Ltmp5, $4  }
0x11c: {  	[sflag:s24] =	ssyncadd.s32 $0xFFFFFFB0  }
0x11d: {  	[tilespmem:s26], [sflag:$0x3] =	stream.indirect.gather [spmem:s4], $0x10, s22, s25, $0xb8;
	[tilespmem:$0x1F5E0] =	vst v63  }
0x11e: {  	s20 =	sadd.s32 $0x1, s20  }
0x11f: {  	[tilespmem:s28], [sflag:$0x3] =	stream.indirect.gather [spmem:s3], $0x50, s23, s25, $0xb8;
	[tilespmem:$0x1F5E0] =	vst v63  }
.LBB2_9:
0x120: {  	_ =	sfence.sel $0x180000  }
0x121: {  	[bflag:$0x0] =	sbarrier.arrive $0xFFFF  }
0x122: {  	_ =	strace $0x90000047  }
0x123: {  	s0 =	stileid.u32;
	[bflag:$0x2] =	sbarrier.arrive $0xFFFF  }
0x124: {  	p0 =	sne.s32 s0, $0x0;
	s0 =	rddreg [dreg:$0x5]  }
0x125: {  	s0 =	sadd.s32 @!p0 $0x100000, s0  }
0x126: {  	[sflag:s0] =	ssyncadd.tile.s32 @!p0 $0x1;
	_ =	shalt  }
.Lfunc_end2:
_tile_overlayer_lowered:
.L_overlay_start_2:
0x127: {  	(tag) =	ssettag $0x2  }
0x128: {  	s0 =	rddreg [dreg:$0x0];
	s2 =	stileid.u32  }
0x129: {  	s1 =	rddreg [dreg:$0x1];
	p0 =	sne.s32 s2, $0x0  }
0x12a: {  	s3 =	rddreg [dreg:$0x2];
	[bflag:$0x3] =	sbarrier.arrive $0xFFFF;
	s2 =	simm.s32 @!p0 $0x1C07  }
0x12b: {  	[timem:s3], [sflag:s2] =	dma.local @!p0 [hbm:s0], s1  }
0x12c: {  	s0 =	simm.s32 @!p0 $0x7  }
0x12d: {  	_ =	swait.ge @!p0 [sflag:s0], s1  }
0x12e: {  	s1 =	ssub.s32 @!p0 $0x0, s1;
	[sflag:s0] =	ssyncset.done @!p0 $0x0  }
0x12f: {  	[sflag:s0] =	ssyncadd.s32 @!p0 s1  }
0x130: {  	[bflag:$0x3] =	sbarrier.arrive $0xFFFF  }
0x131: {  	_ =	shalt  }

</sc_bundles>
